<compile_context>
chip_gen: v7x
topology: tpu7x:2x2x1
jax: 0.10.2.dev20260603
libtpu: 0.0.44.dev20260713+nightly
codegen_flags: <defaults>
</compile_context>

<pallas_src>
import functools

import jax
import jax.numpy as jnp
from jax import lax
from jax.experimental import pallas as pl
from jax.experimental.pallas import tpu as pltpu
from jax.experimental.pallas import tpu_sc as plsc


def _hash_pos_body(qk_ref, v_ref, rot_ref, posg_ref, qv_ref, bmask_ref):
    qk = qk_ref[0]
    rot = rot_ref[...]
    qv_ref[0] = jnp.concatenate([qk, v_ref[0]], axis=1)
    S = qk.shape[0]
    H = posg_ref.shape[1]
    HB = rot.shape[1] // H
    NB = 2 * HB
    W = 64
    b = pl.program_id(0)

    iota_nb = lax.broadcasted_iota(jnp.int32, (S, NB), 1)
    up32 = (lax.broadcasted_iota(jnp.int32, (NB, NB), 0)
            < lax.broadcasted_iota(jnp.int32, (NB, NB), 1)).astype(jnp.float32)
    ident = (lax.broadcasted_iota(jnp.int32, (S, S), 0)
             == lax.broadcasted_iota(jnp.int32, (S, S), 1)).astype(jnp.float32)
    ident64 = (lax.broadcasted_iota(jnp.int32, (W, W), 0)
               == lax.broadcasted_iota(jnp.int32, (W, W), 1)).astype(jnp.float32)
    sub_iota = lax.broadcasted_iota(jnp.int32, (S, 1), 0)
    iota_s64 = lax.broadcasted_iota(jnp.int32, (S, W), 1)

    ohs = []
    for h in range(H):
        r = jnp.dot(qk, rot[:, h * HB:(h + 1) * HB],
                    preferred_element_type=jnp.float32)
        cat = jnp.concatenate([r, -r], axis=1)
        m = jnp.max(cat, axis=1, keepdims=True)
        bucket = jnp.min(jnp.where(cat == m, iota_nb, NB + 1),
                         axis=1, keepdims=True)
        ohs.append((bucket == iota_nb).astype(jnp.float32))
    oh8 = jnp.concatenate(ohs, axis=1)
    BLK = 256
    NBK = S // BLK
    tri_blk = (lax.broadcasted_iota(jnp.int32, (BLK, BLK), 0)
               >= lax.broadcasted_iota(jnp.int32, (BLK, BLK), 1)
               ).astype(jnp.float32)
    l8 = (lax.broadcasted_iota(jnp.int32, (NBK, NBK), 0)
          > lax.broadcasted_iota(jnp.int32, (NBK, NBK), 1)).astype(jnp.float32)
    csums = [jnp.dot(tri_blk, oh8[k * BLK:(k + 1) * BLK, :],
                     preferred_element_type=jnp.float32) for k in range(NBK)]
    bs = jnp.concatenate([c[BLK - 1:BLK, :] for c in csums], axis=0)
    carry = jnp.dot(l8, bs, preferred_element_type=jnp.float32,
                    precision=lax.Precision.HIGHEST)
    csum8 = jnp.concatenate(
        [csums[k] + carry[k:k + 1, :] for k in range(NBK)], axis=0)
    excl8 = csum8 - oh8
    counts8 = jnp.sum(oh8, axis=0, keepdims=True)

    hi_cols, lo_cols, brows = [], [], []
    for h in range(H):
        oh = ohs[h]
        excl = excl8[:, h * NB:(h + 1) * NB]
        counts = counts8[:, h * NB:(h + 1) * NB]
        offs = jnp.dot(counts, up32, preferred_element_type=jnp.float32,
                       precision=lax.Precision.HIGHEST)
        posf = jnp.sum(oh * (excl + offs), axis=1, keepdims=True)
        posi = posf.astype(jnp.int32)
        hi_cols.append((posi >> 8).astype(jnp.float32))
        lo_cols.append((posi & 255).astype(jnp.float32))
        first = (posi == iota_s64).astype(jnp.int32)
        last = (posi == iota_s64 + (S - W)).astype(jnp.int32)
        psub = jnp.concatenate([first, last], axis=1)
        bid = jnp.sum(psub * sub_iota, axis=0, keepdims=True)
        brows.append(bid)

    bm_list = []
    for h in range(H):
        qrow = brows[h][:, 0:W]
        prow = brows[(h - 1) % H][:, W:2 * W]
        qhi = (qrow >> 8).astype(jnp.float32)
        qlo = (qrow & 255).astype(jnp.float32)
        qhic = lax.dot_general(ident64, qhi, (((1,), (1,)), ((), ())),
                               preferred_element_type=jnp.float32)
        qloc = lax.dot_general(ident64, qlo, (((1,), (1,)), ((), ())),
                               preferred_element_type=jnp.float32)
        qcol = (256.0 * qhic + qloc).astype(jnp.int32)
        bm_list.append((qcol == prow).astype(jnp.int32))
    bmask_ref[0] = jnp.concatenate(bm_list, axis=0)

    X = jnp.concatenate(hi_cols + lo_cols, axis=1)
    XT = lax.dot_general(X, ident, (((0,), (0,)), ((), ())),
                         preferred_element_type=jnp.float32)
    posT8 = (256.0 * XT[0:H] + XT[H:2 * H]).astype(jnp.int32)
    h_iota = lax.broadcasted_iota(jnp.int32, (H, S), 0)
    posg_ref[0] = posT8 + (b * H + h_iota) * S


def _hash_pos_call(qk, v, rot2d, H):
    B, S, D = qk.shape
    W = 64
    return pl.pallas_call(
        _hash_pos_body,
        grid=(B,),
        in_specs=[
            pl.BlockSpec((1, S, D), lambda b: (b, 0, 0)),
            pl.BlockSpec((1, S, D), lambda b: (b, 0, 0)),
            pl.BlockSpec(rot2d.shape, lambda b: (0, 0)),
        ],
        out_specs=[
            pl.BlockSpec((1, H, S), lambda b: (b, 0, 0)),
            pl.BlockSpec((1, S, 2 * D), lambda b: (b, 0, 0)),
            pl.BlockSpec((1, H * W, W), lambda b: (b, 0, 0)),
        ],
        out_shape=[
            jax.ShapeDtypeStruct((B, H, S), jnp.int32),
            jax.ShapeDtypeStruct((B, S, 2 * D), jnp.float32),
            jax.ShapeDtypeStruct((B, H * W, W), jnp.int32),
        ],
    )(qk, v, rot2d)


def _attn_body(qvm_ref, qvp_ref, bm_ref, so_ref):
    CH = 16
    W = 64
    qvm = qvm_ref[0]
    qvp = qvp_ref[0]
    D = qvm.shape[1] // 2
    qm = qvm[:, 0:D]
    vm = qvm[:, D:]
    qp = qvp[:, 0:D]
    vp = qvp[:, D:]
    bm = bm_ref[0]

    norms = jnp.sqrt(jnp.sum(qm * qm, axis=1, keepdims=True))
    nm = qm / jnp.maximum(norms, 1e-12)
    qpl = qp[-W:, :]
    pnorm = jnp.sqrt(jnp.sum(qpl * qpl, axis=1, keepdims=True))
    npl = qpl / jnp.maximum(pnorm, 1e-12)
    n_shift = jnp.concatenate([npl, nm[:-W, :]], axis=0)
    v_shift = jnp.concatenate([vp[-W:, :], vm[:-W, :]], axis=0)

    q3 = qm.reshape(CH, W, D)
    n3 = nm.reshape(CH, W, D)
    ns3 = n_shift.reshape(CH, W, D)
    v3 = vm.reshape(CH, W, D)
    vs3 = v_shift.reshape(CH, W, D)

    bdims = (((2,), (2,)), ((0,), (0,)))
    dots_s = lax.dot_general(q3, n3, bdims,
                             preferred_element_type=jnp.float32) * 0.125
    dots_p = lax.dot_general(q3, ns3, bdims,
                             preferred_element_type=jnp.float32) * 0.125

    diag3 = (lax.broadcasted_iota(jnp.int32, (CH, W, W), 1)
             == lax.broadcasted_iota(jnp.int32, (CH, W, W), 2)).astype(jnp.int32)
    is_even = 1 - (pl.program_id(1) % 2)
    c_is0 = (lax.broadcasted_iota(jnp.int32, (CH, W, W), 0) == 0).astype(jnp.int32)
    bm3 = bm[None, :, :] * (c_is0 * is_even)
    dots_s = jnp.where(diag3 > 0, -50000.0, dots_s)
    dots_p = jnp.where(bm3 > 0, -50000.0, dots_p)

    m = jnp.maximum(jnp.max(dots_s, axis=2, keepdims=True),
                    jnp.max(dots_p, axis=2, keepdims=True))
    e_s = jnp.exp(dots_s - m)
    e_p = jnp.exp(dots_p - m)
    s = jnp.sum(e_s, axis=2, keepdims=True) + jnp.sum(e_p, axis=2, keepdims=True)
    lse = m + jnp.log(s)
    pdims = (((2,), (1,)), ((0,), (0,)))
    bo = (lax.dot_general(e_s / s, v3, pdims,
                          preferred_element_type=jnp.float32)
          + lax.dot_general(e_p / s, vs3, pdims,
                            preferred_element_type=jnp.float32))
    so_ref[0, :, 0:D] = bo.reshape(CH * W, D)
    so_ref[0, :, D:D + 1] = lse.reshape(CH * W, 1)
    so_ref[0, :, D + 1:] = jnp.zeros((CH * W, so_ref.shape[2] - D - 1),
                                     jnp.float32)


def _attn_call(sqv, bmask):
    B, T, D2 = sqv.shape
    NBLK = 16
    BW = T // NBLK
    W = 64

    row_spec_m = pl.BlockSpec((1, BW, D2), lambda b, k: (b, k, 0))
    row_spec_p = pl.BlockSpec((1, BW, D2), lambda b, k: (b, (k - 1) % NBLK, 0))
    return pl.pallas_call(
        _attn_body,
        grid=(B, NBLK),
        in_specs=[
            row_spec_m,
            row_spec_p,
            pl.BlockSpec((1, W, W), lambda b, k: (b, k // 2, 0)),
        ],
        out_specs=pl.BlockSpec((1, BW, D2), lambda b, k: (b, k, 0)),
        out_shape=jax.ShapeDtypeStruct((B, T, D2), jnp.float32),
    )(sqv, sqv, bmask)


def _combine_body(oe_ref, out_ref):
    oe = oe_ref[0]
    D = out_ref.shape[2]
    o = oe[:, :, 0:D]
    l = oe[:, :, D:D + 1]
    m = jnp.max(l, axis=0, keepdims=True)
    w = jnp.exp(l - m)
    s = jnp.sum(w, axis=0, keepdims=True)
    w = w / s
    out_ref[0] = jnp.sum(o * w, axis=0)


def _combine_call(oe_u, D):
    B, H, S, D2 = oe_u.shape
    TB = 512
    return pl.pallas_call(
        _combine_body,
        grid=(B, S // TB),
        in_specs=[
            pl.BlockSpec((1, H, TB, D2), lambda b, t: (b, 0, t, 0)),
        ],
        out_specs=pl.BlockSpec((1, TB, D), lambda b, t: (b, t, 0)),
        out_shape=jax.ShapeDtypeStruct((B, S, D), jnp.float32),
    )(oe_u)


def _sc_info():
    info = plsc.get_sparse_core_info()
    return info.num_cores, info.num_subcores, info.num_lanes


def _scatter_rows_call(qv_flat, posg_flat, B, S, H):
    N = B * H * S
    D2 = qv_flat.shape[1]
    NC, NS, L = _sc_info()
    NW = NC * NS
    PPW = (B * H) // NW
    CHUNK = 128
    NCH = S // CHUNK

    @functools.partial(
        pl.kernel,
        mesh=plsc.VectorSubcoreMesh(core_axis_name="c", subcore_axis_name="s"),
        out_type=jax.ShapeDtypeStruct((N, D2), jnp.float32),
        scratch_types=[
            pltpu.VMEM((CHUNK,), jnp.int32),
            pltpu.VMEM((CHUNK, D2), jnp.float32),
            pltpu.SemaphoreType.DMA,
        ],
    )
    def k(qv_hbm, posg_hbm, sqv_hbm, idx_v, rows_v, sem):
        wid = lax.axis_index("s") * NC + lax.axis_index("c")
        for j in range(PPW):
            bh = wid * PPW + j
            b = bh // H

            def body(c, _):
                tstart = c * CHUNK
                pltpu.sync_copy(posg_hbm.at[pl.ds(bh * S + tstart, CHUNK)],
                                idx_v)
                pltpu.sync_copy(qv_hbm.at[pl.ds(b * S + tstart, CHUNK)],
                                rows_v)
                pltpu.async_copy(rows_v, sqv_hbm.at[idx_v], sem).wait()
                return 0

            lax.fori_loop(0, NCH, body, 0)

    return k(qv_flat, posg_flat)


def _gather_rows_call(tables, idx):
    N = idx.shape[0]
    NC, NS, L = _sc_info()
    NW = NC * NS
    RPW = N // NW
    CHUNK = 128
    NCH = RPW // CHUNK
    NT = len(tables)

    @functools.partial(
        pl.kernel,
        mesh=plsc.VectorSubcoreMesh(core_axis_name="c", subcore_axis_name="s"),
        out_type=[jax.ShapeDtypeStruct((N, t.shape[1]), t.dtype)
                  for t in tables],
        scratch_types=(
            [pltpu.VMEM((CHUNK,), jnp.int32)]
            + [pltpu.VMEM((CHUNK, t.shape[1]), t.dtype) for t in tables]
            + [pltpu.SemaphoreType.DMA] * NT
        ),
    )
    def k(*refs):
        tabs = refs[:NT]
        idx_hbm = refs[NT]
        outs = refs[NT + 1:NT + 1 + NT]
        idx_v = refs[NT + 1 + NT]
        rows = refs[NT + 2 + NT:NT + 2 + 2 * NT]
        sems = refs[NT + 2 + 2 * NT:]
        wid = lax.axis_index("s") * NC + lax.axis_index("c")
        base = wid * RPW

        def body(c, _):
            start = base + c * CHUNK
            pltpu.sync_copy(idx_hbm.at[pl.ds(start, CHUNK)], idx_v)
            cps = [pltpu.async_copy(tabs[i].at[idx_v], rows[i], sems[i])
                   for i in range(NT)]
            for cp in cps:
                cp.wait()
            for i in range(NT):
                pltpu.sync_copy(rows[i], outs[i].at[pl.ds(start, CHUNK)])
            return 0

        lax.fori_loop(0, NCH, body, 0)

    return k(*tables, idx)


def kernel(qk, v, rotations):
    B, S, D = qk.shape
    H = rotations.shape[2]
    rot2d = rotations.reshape(D, H * rotations.shape[3])

    N = B * H * S
    posg, qv, bmask = _hash_pos_call(qk, v, rot2d, H)
    sqv = _scatter_rows_call(qv.reshape(B * S, 2 * D), posg.reshape(N),
                             B, S, H)
    soe = _attn_call(sqv.reshape(B, H * S, 2 * D), bmask)
    (oe_u,) = _gather_rows_call([soe.reshape(N, 2 * D)], posg.reshape(N))
    return _combine_call(oe_u.reshape(B, H, S, 2 * D), D)

# --- scband reference (transcript-rebuilt; emitter-appended) ---
"""Pipeline reference for scband-lshattention-48498770706949 (READ-ONLY COPY).

The authoritative reference and input builder live on the scoring server;
editing this copy changes nothing except your own understanding.
"""

import jax, jax.numpy as jnp
import numpy as np

BUCKET_SIZE = 64
N_HASHES = 8

def setup_inputs(seed: int = 0):
    key = jax.random.key(seed)
    k1, k2, k3 = jax.random.split(key, 3)
    B, S, D = 16, 2048, 64
    n_buckets = S // BUCKET_SIZE
    qk = jax.random.normal(k1, (B, S, D), dtype=jnp.float32)
    v = jax.random.normal(k2, (B, S, D), dtype=jnp.float32)
    rotations = jax.random.normal(k3, (1, D, N_HASHES, n_buckets // 2), dtype=jnp.float32)
    return {"qk": qk, "v": v, "rotations": rotations}

def _sort_key_val(t1, t2):
    idx = jnp.argsort(t1, axis=-1)
    return jnp.take_along_axis(t1, idx, axis=-1), jnp.take_along_axis(jnp.broadcast_to(t2, t1.shape), idx, axis=-1)

def _batched_index_select(values, indices):
    return jnp.take_along_axis(values, indices[:, :, None], axis=1)

def _hash_vectors(n_buckets, vecs, rotations):
    batch_size = vecs.shape[0]
    random_rotations = jnp.broadcast_to(rotations, (batch_size,) + rotations.shape[1:])
    rotated_vecs = jnp.einsum('btf,bfhi->bhti', vecs, random_rotations)
    rotated_vecs = jnp.concatenate([rotated_vecs, -rotated_vecs], axis=-1)
    buckets = jnp.argmax(rotated_vecs, axis=-1)
    offsets = (jnp.arange(N_HASHES) * n_buckets).reshape(1, -1, 1)
    buckets = (buckets + offsets).reshape(batch_size, -1)
    return buckets

def _lsh_attention(qk, v, rotations):
    batch_size, seqlen, dim = qk.shape
    n_buckets = seqlen // BUCKET_SIZE
    buckets = _hash_vectors(n_buckets, qk, rotations)
    total_hashes = N_HASHES
    ticker = jnp.broadcast_to(jnp.arange(total_hashes * seqlen)[None, :], buckets.shape)
    buckets_and_t = seqlen * buckets + (ticker % seqlen)
    buckets_and_t = jax.lax.stop_gradient(buckets_and_t)
    sbuckets_and_t, sticker = _sort_key_val(buckets_and_t, ticker)
    undo_sort = jnp.argsort(sticker, axis=-1)
    st = sticker % seqlen
    sqk = _batched_index_select(qk, st)
    sv = _batched_index_select(v, st)
    chunk_size = total_hashes * n_buckets
    bq_t = st.reshape(batch_size, chunk_size, -1)
    bkv_t = bq_t
    bqk = sqk.reshape(batch_size, chunk_size, -1, dim)
    bv = sv.reshape(batch_size, chunk_size, -1, dim)
    bq = bqk
    norm = jnp.sqrt(jnp.sum(bqk * bqk, axis=-1, keepdims=True))
    bk = bqk / jnp.maximum(norm, 1e-12)
    def look_one_back(x):
        x_extra = jnp.concatenate([x[:, -1:], x[:, :-1]], axis=1)
        return jnp.concatenate([x, x_extra], axis=2)
    bk = look_one_back(bk)
    bv = look_one_back(bv)
    bkv_t = look_one_back(bkv_t)
    dots = jnp.einsum('bhie,bhje->bhij', bq, bk) * (dim ** -0.5)
    self_mask = bq_t[:, :, :, None] == bkv_t[:, :, None, :]
    dots = jnp.where(self_mask, -50000.0, dots)
    dots_logsumexp = jax.scipy.special.logsumexp(dots, axis=-1, keepdims=True)
    dots = jnp.exp(dots - dots_logsumexp)
    bo = jnp.einsum('buij,buje->buie', dots, bv)
    so = bo.reshape(batch_size, -1, dim)
    slogits = dots_logsumexp.reshape(batch_size, -1)
    o = _batched_index_select(so, undo_sort)
    logits = jnp.take_along_axis(slogits, undo_sort, axis=1)
    o = o.reshape(batch_size, total_hashes, seqlen, dim)
    logits = logits.reshape(batch_size, total_hashes, seqlen, 1)
    probs = jnp.exp(logits - jax.scipy.special.logsumexp(logits, axis=1, keepdims=True))
    out = jnp.sum(o * probs, axis=1)
    return out

def reference(qk, v, rotations):
    return _lsh_attention(qk, v, rotations)

if __name__ == "__main__":
    import jax
    _d = setup_inputs()
    print(jax.jit(kernel)(*tuple(_d.values())))

</pallas_src>

<mosaic_0001>
#map = affine_map<(d0, d1) -> (0, 0)>
#map1 = affine_map<(d0, d1) -> (0)>
module attributes {stable_mosaic.version = 14 : i64} {
  func.func @k(%arg0: i32, %arg1: i32, %arg2: memref<32768x128xf32, #tpu.memory_space<hbm>>, %arg3: memref<262144xi32, #tpu.memory_space<hbm>>, %arg4: memref<262144x128xf32, #tpu.memory_space<hbm>>, %arg5: memref<128xi32, #tpu.memory_space<vmem>>, %arg6: memref<128x128xf32, #tpu.memory_space<vmem>>, %arg7: memref<!tpu.dma_semaphore, #tpu.memory_space<semaphore_mem>>) attributes {dimension_semantics = [#tpu.dimension_semantics<core_parallel>, #tpu.dimension_semantics<subcore_parallel>], iteration_bounds = array<i64: 2, 16>, scalar_prefetch = 0 : i64, scratch_operands = 3 : i64, tpu.core_type = #tpu.core_type<sc_vector_subcore>, window_params = [{transform_indices = #map}, {transform_indices = #map1}, {transform_indices = #map}]} {
    %mul3A = arith.constant 2 : i32
    %mul3A_0 = arith.muli %arg1, %mul3A : i32
    %add3A = arith.addi %mul3A_0, %arg0 : i32
    %mul3A_1 = arith.constant 4 : i32
    %mul3A_2 = arith.muli %add3A, %mul3A_1 : i32
    %add3A_3 = arith.constant 0 : i32
    %add3A_4 = arith.addi %mul3A_2, %add3A_3 : i32
    %jit3A = arith.constant 8 : i32
    %div3A = arith.divsi %add3A_4, %jit3A : i32
    %sign3A = arith.constant 0 : i32
    %sign3A_5 = arith.cmpi sgt, %add3A_4, %sign3A : i32
    %sign3A_6 = arith.extui %sign3A_5 : i1 to i32
    %sign3A_7 = arith.constant 0 : i32
    %sign3A_8 = arith.cmpi slt, %add3A_4, %sign3A_7 : i32
    %sign3A_9 = arith.extui %sign3A_8 : i1 to i32
    %sign3A_10 = arith.subi %sign3A_6, %sign3A_9 : i32
    %sign3A_11 = arith.constant 0 : i32
    %sign3A_12 = arith.cmpi sgt, %jit3A, %sign3A_11 : i32
    %sign3A_13 = arith.extui %sign3A_12 : i1 to i32
    %sign3A_14 = arith.constant 0 : i32
    %sign3A_15 = arith.cmpi slt, %jit3A, %sign3A_14 : i32
    %sign3A_16 = arith.extui %sign3A_15 : i1 to i32
    %sign3A_17 = arith.subi %sign3A_13, %sign3A_16 : i32
    %ne3A = arith.cmpi ne, %sign3A_10, %sign3A_17 : i32
    %rem3A = arith.remsi %add3A_4, %jit3A : i32
    %ne3A_18 = arith.constant 0 : i32
    %ne3A_19 = arith.cmpi ne, %rem3A, %ne3A_18 : i32
    %and3A = arith.andi %ne3A, %ne3A_19 : i1
    %sub3A = arith.constant 1 : i32
    %sub3A_20 = arith.subi %div3A, %sub3A : i32
    %select_n3A = arith.select %and3A, %sub3A_20, %div3A : i32
    %scan3A = arith.constant 0 : i32
    %scan3A_21 = arith.constant 0 : i32
    %scan3A_22 = arith.constant 16 : i32
    %scan3A_23 = arith.addi %scan3A_21, %scan3A_22 : i32
    %scan3A_24 = arith.constant 1 : i32
    %scan3A_25 = scf.for %scan3A_132 = %scan3A_21 to %scan3A_23 step %scan3A_24 iter_args(%scan3A_133 = %scan3A) -> (i32)  : i32 {
      %mul3A_134 = arith.constant 128 : i32
      %mul3A_135 = arith.muli %scan3A_132, %mul3A_134 : i32
      %mul3A_136 = arith.constant 2048 : i32
      %mul3A_137 = arith.muli %add3A_4, %mul3A_136 : i32
      %add3A_138 = arith.addi %mul3A_137, %mul3A_135 : i32
      "tpu.region"() ({
        %run_scoped3A = tpu.sem_alloc : memref<!tpu.dma_semaphore, #tpu.memory_space<semaphore_mem>>
        %dma_start3A_147 = tpu.memref_slice %arg3[%add3A_138] : memref<262144xi32, #tpu.memory_space<hbm>> -> memref<128xi32, #tpu.memory_space<hbm>>
        %dma_start3A_148 = tpu.memref_slice %arg3[%add3A_138] : memref<262144xi32, #tpu.memory_space<hbm>> -> memref<128xi32, #tpu.memory_space<hbm>>
        tpu.enqueue_dma source(%dma_start3A_148 : memref<128xi32, #tpu.memory_space<hbm>>) target(%arg5 : memref<128xi32, #tpu.memory_space<vmem>>) target_semaphore(%run_scoped3A : memref<!tpu.dma_semaphore, #tpu.memory_space<semaphore_mem>>)
        %dma_wait3A_149 = tpu.memref_slice %arg3[%add3A_138] : memref<262144xi32, #tpu.memory_space<hbm>> -> memref<128xi32, #tpu.memory_space<hbm>>
        %dma_wait3A_150 = tpu.memref_slice %arg3[%add3A_138] : memref<262144xi32, #tpu.memory_space<hbm>> -> memref<128xi32, #tpu.memory_space<hbm>>
        tpu.wait_dma2 semaphore(%run_scoped3A : memref<!tpu.dma_semaphore, #tpu.memory_space<semaphore_mem>>) src(%dma_wait3A_150 : memref<128xi32, #tpu.memory_space<hbm>>) dst(%arg5 : memref<128xi32, #tpu.memory_space<vmem>>)
        tpu.yield
      }) : () -> ()
      %mul3A_139 = arith.constant 2048 : i32
      %mul3A_140 = arith.muli %select_n3A, %mul3A_139 : i32
      %add3A_141 = arith.addi %mul3A_140, %mul3A_135 : i32
      "tpu.region"() ({
        %run_scoped3A = tpu.sem_alloc : memref<!tpu.dma_semaphore, #tpu.memory_space<semaphore_mem>>
        %dma_start3A_147 = arith.constant 0 : i32
        %dma_start3A_148 = tpu.memref_slice %arg2[%add3A_141, %dma_start3A_147] : memref<32768x128xf32, #tpu.memory_space<hbm>> -> memref<128x128xf32, #tpu.memory_space<hbm>>
        %dma_start3A_149 = arith.constant 0 : i32
        %dma_start3A_150 = tpu.memref_slice %arg2[%add3A_141, %dma_start3A_149] : memref<32768x128xf32, #tpu.memory_space<hbm>> -> memref<128x128xf32, #tpu.memory_space<hbm>>
        tpu.enqueue_dma source(%dma_start3A_150 : memref<128x128xf32, #tpu.memory_space<hbm>>) target(%arg6 : memref<128x128xf32, #tpu.memory_space<vmem>>) target_semaphore(%run_scoped3A : memref<!tpu.dma_semaphore, #tpu.memory_space<semaphore_mem>>)
        %dma_wait3A_151 = arith.constant 0 : i32
        %dma_wait3A_152 = tpu.memref_slice %arg2[%add3A_141, %dma_wait3A_151] : memref<32768x128xf32, #tpu.memory_space<hbm>> -> memref<128x128xf32, #tpu.memory_space<hbm>>
        %dma_wait3A_153 = arith.constant 0 : i32
        %dma_wait3A_154 = tpu.memref_slice %arg2[%add3A_141, %dma_wait3A_153] : memref<32768x128xf32, #tpu.memory_space<hbm>> -> memref<128x128xf32, #tpu.memory_space<hbm>>
        tpu.wait_dma2 semaphore(%run_scoped3A : memref<!tpu.dma_semaphore, #tpu.memory_space<semaphore_mem>>) src(%dma_wait3A_154 : memref<128x128xf32, #tpu.memory_space<hbm>>) dst(%arg6 : memref<128x128xf32, #tpu.memory_space<vmem>>)
        tpu.yield
      }) : () -> ()
      %dma_start3A = arith.constant 0 : i32
      %dma_start3A_142 = arith.constant 0 : i32
      %dma_start3A_143 = tpu.memref_slice %arg4[%dma_start3A, %dma_start3A_142] : memref<262144x128xf32, #tpu.memory_space<hbm>> -> memref<262144x128xf32, #tpu.memory_space<hbm>>
      tpu.enqueue_indirect_dma source(%arg6 : memref<128x128xf32, #tpu.memory_space<vmem>>) target(%dma_start3A_143 : memref<262144x128xf32, #tpu.memory_space<hbm>>) offsets(%arg5 : memref<128xi32, #tpu.memory_space<vmem>>) semaphore(%arg7 : memref<!tpu.dma_semaphore, #tpu.memory_space<semaphore_mem>>)
      %dma_wait3A = arith.constant 0 : i32
      %dma_wait3A_144 = arith.constant 0 : i32
      %dma_wait3A_145 = tpu.memref_slice %arg4[%dma_wait3A, %dma_wait3A_144] : memref<262144x128xf32, #tpu.memory_space<hbm>> -> memref<262144x128xf32, #tpu.memory_space<hbm>>
      tpu.wait_indirect_dma semaphore(%arg7 : memref<!tpu.dma_semaphore, #tpu.memory_space<semaphore_mem>>) src(%arg6 : memref<128x128xf32, #tpu.memory_space<vmem>>) dst(%dma_wait3A_145 : memref<262144x128xf32, #tpu.memory_space<hbm>>)
      %scan3A_146 = arith.constant 0 : i32
      scf.yield %scan3A_146 : i32
    }
    %scan3A_26 = arith.constant 16 : i32
    %mul3A_27 = arith.constant 4 : i32
    %mul3A_28 = arith.muli %add3A, %mul3A_27 : i32
    %add3A_29 = arith.constant 1 : i32
    %add3A_30 = arith.addi %mul3A_28, %add3A_29 : i32
    %jit3A_31 = arith.constant 8 : i32
    %div3A_32 = arith.divsi %add3A_30, %jit3A_31 : i32
    %sign3A_33 = arith.constant 0 : i32
    %sign3A_34 = arith.cmpi sgt, %add3A_30, %sign3A_33 : i32
    %sign3A_35 = arith.extui %sign3A_34 : i1 to i32
    %sign3A_36 = arith.constant 0 : i32
    %sign3A_37 = arith.cmpi slt, %add3A_30, %sign3A_36 : i32
    %sign3A_38 = arith.extui %sign3A_37 : i1 to i32
    %sign3A_39 = arith.subi %sign3A_35, %sign3A_38 : i32
    %sign3A_40 = arith.constant 0 : i32
    %sign3A_41 = arith.cmpi sgt, %jit3A_31, %sign3A_40 : i32
    %sign3A_42 = arith.extui %sign3A_41 : i1 to i32
    %sign3A_43 = arith.constant 0 : i32
    %sign3A_44 = arith.cmpi slt, %jit3A_31, %sign3A_43 : i32
    %sign3A_45 = arith.extui %sign3A_44 : i1 to i32
    %sign3A_46 = arith.subi %sign3A_42, %sign3A_45 : i32
    %ne3A_47 = arith.cmpi ne, %sign3A_39, %sign3A_46 : i32
    %rem3A_48 = arith.remsi %add3A_30, %jit3A_31 : i32
    %ne3A_49 = arith.constant 0 : i32
    %ne3A_50 = arith.cmpi ne, %rem3A_48, %ne3A_49 : i32
    %and3A_51 = arith.andi %ne3A_47, %ne3A_50 : i1
    %sub3A_52 = arith.constant 1 : i32
    %sub3A_53 = arith.subi %div3A_32, %sub3A_52 : i32
    %select_n3A_54 = arith.select %and3A_51, %sub3A_53, %div3A_32 : i32
    %scan3A_55 = arith.constant 0 : i32
    %scan3A_56 = arith.constant 0 : i32
    %scan3A_57 = arith.constant 16 : i32
    %scan3A_58 = arith.addi %scan3A_56, %scan3A_57 : i32
    %scan3A_59 = arith.constant 1 : i32
    %scan3A_60 = scf.for %scan3A_132 = %scan3A_56 to %scan3A_58 step %scan3A_59 iter_args(%scan3A_133 = %scan3A_55) -> (i32)  : i32 {
      %mul3A_134 = arith.constant 128 : i32
      %mul3A_135 = arith.muli %scan3A_132, %mul3A_134 : i32
      %mul3A_136 = arith.constant 2048 : i32
      %mul3A_137 = arith.muli %add3A_30, %mul3A_136 : i32
      %add3A_138 = arith.addi %mul3A_137, %mul3A_135 : i32
      "tpu.region"() ({
        %run_scoped3A = tpu.sem_alloc : memref<!tpu.dma_semaphore, #tpu.memory_space<semaphore_mem>>
        %dma_start3A_147 = tpu.memref_slice %arg3[%add3A_138] : memref<262144xi32, #tpu.memory_space<hbm>> -> memref<128xi32, #tpu.memory_space<hbm>>
        %dma_start3A_148 = tpu.memref_slice %arg3[%add3A_138] : memref<262144xi32, #tpu.memory_space<hbm>> -> memref<128xi32, #tpu.memory_space<hbm>>
        tpu.enqueue_dma source(%dma_start3A_148 : memref<128xi32, #tpu.memory_space<hbm>>) target(%arg5 : memref<128xi32, #tpu.memory_space<vmem>>) target_semaphore(%run_scoped3A : memref<!tpu.dma_semaphore, #tpu.memory_space<semaphore_mem>>)
        %dma_wait3A_149 = tpu.memref_slice %arg3[%add3A_138] : memref<262144xi32, #tpu.memory_space<hbm>> -> memref<128xi32, #tpu.memory_space<hbm>>
        %dma_wait3A_150 = tpu.memref_slice %arg3[%add3A_138] : memref<262144xi32, #tpu.memory_space<hbm>> -> memref<128xi32, #tpu.memory_space<hbm>>
        tpu.wait_dma2 semaphore(%run_scoped3A : memref<!tpu.dma_semaphore, #tpu.memory_space<semaphore_mem>>) src(%dma_wait3A_150 : memref<128xi32, #tpu.memory_space<hbm>>) dst(%arg5 : memref<128xi32, #tpu.memory_space<vmem>>)
        tpu.yield
      }) : () -> ()
      %mul3A_139 = arith.constant 2048 : i32
      %mul3A_140 = arith.muli %select_n3A_54, %mul3A_139 : i32
      %add3A_141 = arith.addi %mul3A_140, %mul3A_135 : i32
      "tpu.region"() ({
        %run_scoped3A = tpu.sem_alloc : memref<!tpu.dma_semaphore, #tpu.memory_space<semaphore_mem>>
        %dma_start3A_147 = arith.constant 0 : i32
        %dma_start3A_148 = tpu.memref_slice %arg2[%add3A_141, %dma_start3A_147] : memref<32768x128xf32, #tpu.memory_space<hbm>> -> memref<128x128xf32, #tpu.memory_space<hbm>>
        %dma_start3A_149 = arith.constant 0 : i32
        %dma_start3A_150 = tpu.memref_slice %arg2[%add3A_141, %dma_start3A_149] : memref<32768x128xf32, #tpu.memory_space<hbm>> -> memref<128x128xf32, #tpu.memory_space<hbm>>
        tpu.enqueue_dma source(%dma_start3A_150 : memref<128x128xf32, #tpu.memory_space<hbm>>) target(%arg6 : memref<128x128xf32, #tpu.memory_space<vmem>>) target_semaphore(%run_scoped3A : memref<!tpu.dma_semaphore, #tpu.memory_space<semaphore_mem>>)
        %dma_wait3A_151 = arith.constant 0 : i32
        %dma_wait3A_152 = tpu.memref_slice %arg2[%add3A_141, %dma_wait3A_151] : memref<32768x128xf32, #tpu.memory_space<hbm>> -> memref<128x128xf32, #tpu.memory_space<hbm>>
        %dma_wait3A_153 = arith.constant 0 : i32
        %dma_wait3A_154 = tpu.memref_slice %arg2[%add3A_141, %dma_wait3A_153] : memref<32768x128xf32, #tpu.memory_space<hbm>> -> memref<128x128xf32, #tpu.memory_space<hbm>>
        tpu.wait_dma2 semaphore(%run_scoped3A : memref<!tpu.dma_semaphore, #tpu.memory_space<semaphore_mem>>) src(%dma_wait3A_154 : memref<128x128xf32, #tpu.memory_space<hbm>>) dst(%arg6 : memref<128x128xf32, #tpu.memory_space<vmem>>)
        tpu.yield
      }) : () -> ()
      %dma_start3A = arith.constant 0 : i32
      %dma_start3A_142 = arith.constant 0 : i32
      %dma_start3A_143 = tpu.memref_slice %arg4[%dma_start3A, %dma_start3A_142] : memref<262144x128xf32, #tpu.memory_space<hbm>> -> memref<262144x128xf32, #tpu.memory_space<hbm>>
      tpu.enqueue_indirect_dma source(%arg6 : memref<128x128xf32, #tpu.memory_space<vmem>>) target(%dma_start3A_143 : memref<262144x128xf32, #tpu.memory_space<hbm>>) offsets(%arg5 : memref<128xi32, #tpu.memory_space<vmem>>) semaphore(%arg7 : memref<!tpu.dma_semaphore, #tpu.memory_space<semaphore_mem>>)
      %dma_wait3A = arith.constant 0 : i32
      %dma_wait3A_144 = arith.constant 0 : i32
      %dma_wait3A_145 = tpu.memref_slice %arg4[%dma_wait3A, %dma_wait3A_144] : memref<262144x128xf32, #tpu.memory_space<hbm>> -> memref<262144x128xf32, #tpu.memory_space<hbm>>
      tpu.wait_indirect_dma semaphore(%arg7 : memref<!tpu.dma_semaphore, #tpu.memory_space<semaphore_mem>>) src(%arg6 : memref<128x128xf32, #tpu.memory_space<vmem>>) dst(%dma_wait3A_145 : memref<262144x128xf32, #tpu.memory_space<hbm>>)
      %scan3A_146 = arith.constant 0 : i32
      scf.yield %scan3A_146 : i32
    }
    %scan3A_61 = arith.constant 16 : i32
    %mul3A_62 = arith.constant 4 : i32
    %mul3A_63 = arith.muli %add3A, %mul3A_62 : i32
    %add3A_64 = arith.constant 2 : i32
    %add3A_65 = arith.addi %mul3A_63, %add3A_64 : i32
    %jit3A_66 = arith.constant 8 : i32
    %div3A_67 = arith.divsi %add3A_65, %jit3A_66 : i32
    %sign3A_68 = arith.constant 0 : i32
    %sign3A_69 = arith.cmpi sgt, %add3A_65, %sign3A_68 : i32
    %sign3A_70 = arith.extui %sign3A_69 : i1 to i32
    %sign3A_71 = arith.constant 0 : i32
    %sign3A_72 = arith.cmpi slt, %add3A_65, %sign3A_71 : i32
    %sign3A_73 = arith.extui %sign3A_72 : i1 to i32
    %sign3A_74 = arith.subi %sign3A_70, %sign3A_73 : i32
    %sign3A_75 = arith.constant 0 : i32
    %sign3A_76 = arith.cmpi sgt, %jit3A_66, %sign3A_75 : i32
    %sign3A_77 = arith.extui %sign3A_76 : i1 to i32
    %sign3A_78 = arith.constant 0 : i32
    %sign3A_79 = arith.cmpi slt, %jit3A_66, %sign3A_78 : i32
    %sign3A_80 = arith.extui %sign3A_79 : i1 to i32
    %sign3A_81 = arith.subi %sign3A_77, %sign3A_80 : i32
    %ne3A_82 = arith.cmpi ne, %sign3A_74, %sign3A_81 : i32
    %rem3A_83 = arith.remsi %add3A_65, %jit3A_66 : i32
    %ne3A_84 = arith.constant 0 : i32
    %ne3A_85 = arith.cmpi ne, %rem3A_83, %ne3A_84 : i32
    %and3A_86 = arith.andi %ne3A_82, %ne3A_85 : i1
    %sub3A_87 = arith.constant 1 : i32
    %sub3A_88 = arith.subi %div3A_67, %sub3A_87 : i32
    %select_n3A_89 = arith.select %and3A_86, %sub3A_88, %div3A_67 : i32
    %scan3A_90 = arith.constant 0 : i32
    %scan3A_91 = arith.constant 0 : i32
    %scan3A_92 = arith.constant 16 : i32
    %scan3A_93 = arith.addi %scan3A_91, %scan3A_92 : i32
    %scan3A_94 = arith.constant 1 : i32
    %scan3A_95 = scf.for %scan3A_132 = %scan3A_91 to %scan3A_93 step %scan3A_94 iter_args(%scan3A_133 = %scan3A_90) -> (i32)  : i32 {
      %mul3A_134 = arith.constant 128 : i32
      %mul3A_135 = arith.muli %scan3A_132, %mul3A_134 : i32
      %mul3A_136 = arith.constant 2048 : i32
      %mul3A_137 = arith.muli %add3A_65, %mul3A_136 : i32
      %add3A_138 = arith.addi %mul3A_137, %mul3A_135 : i32
      "tpu.region"() ({
        %run_scoped3A = tpu.sem_alloc : memref<!tpu.dma_semaphore, #tpu.memory_space<semaphore_mem>>
        %dma_start3A_147 = tpu.memref_slice %arg3[%add3A_138] : memref<262144xi32, #tpu.memory_space<hbm>> -> memref<128xi32, #tpu.memory_space<hbm>>
        %dma_start3A_148 = tpu.memref_slice %arg3[%add3A_138] : memref<262144xi32, #tpu.memory_space<hbm>> -> memref<128xi32, #tpu.memory_space<hbm>>
        tpu.enqueue_dma source(%dma_start3A_148 : memref<128xi32, #tpu.memory_space<hbm>>) target(%arg5 : memref<128xi32, #tpu.memory_space<vmem>>) target_semaphore(%run_scoped3A : memref<!tpu.dma_semaphore, #tpu.memory_space<semaphore_mem>>)
        %dma_wait3A_149 = tpu.memref_slice %arg3[%add3A_138] : memref<262144xi32, #tpu.memory_space<hbm>> -> memref<128xi32, #tpu.memory_space<hbm>>
        %dma_wait3A_150 = tpu.memref_slice %arg3[%add3A_138] : memref<262144xi32, #tpu.memory_space<hbm>> -> memref<128xi32, #tpu.memory_space<hbm>>
        tpu.wait_dma2 semaphore(%run_scoped3A : memref<!tpu.dma_semaphore, #tpu.memory_space<semaphore_mem>>) src(%dma_wait3A_150 : memref<128xi32, #tpu.memory_space<hbm>>) dst(%arg5 : memref<128xi32, #tpu.memory_space<vmem>>)
        tpu.yield
      }) : () -> ()
      %mul3A_139 = arith.constant 2048 : i32
      %mul3A_140 = arith.muli %select_n3A_89, %mul3A_139 : i32
      %add3A_141 = arith.addi %mul3A_140, %mul3A_135 : i32
      "tpu.region"() ({
        %run_scoped3A = tpu.sem_alloc : memref<!tpu.dma_semaphore, #tpu.memory_space<semaphore_mem>>
        %dma_start3A_147 = arith.constant 0 : i32
        %dma_start3A_148 = tpu.memref_slice %arg2[%add3A_141, %dma_start3A_147] : memref<32768x128xf32, #tpu.memory_space<hbm>> -> memref<128x128xf32, #tpu.memory_space<hbm>>
        %dma_start3A_149 = arith.constant 0 : i32
        %dma_start3A_150 = tpu.memref_slice %arg2[%add3A_141, %dma_start3A_149] : memref<32768x128xf32, #tpu.memory_space<hbm>> -> memref<128x128xf32, #tpu.memory_space<hbm>>
        tpu.enqueue_dma source(%dma_start3A_150 : memref<128x128xf32, #tpu.memory_space<hbm>>) target(%arg6 : memref<128x128xf32, #tpu.memory_space<vmem>>) target_semaphore(%run_scoped3A : memref<!tpu.dma_semaphore, #tpu.memory_space<semaphore_mem>>)
        %dma_wait3A_151 = arith.constant 0 : i32
        %dma_wait3A_152 = tpu.memref_slice %arg2[%add3A_141, %dma_wait3A_151] : memref<32768x128xf32, #tpu.memory_space<hbm>> -> memref<128x128xf32, #tpu.memory_space<hbm>>
        %dma_wait3A_153 = arith.constant 0 : i32
        %dma_wait3A_154 = tpu.memref_slice %arg2[%add3A_141, %dma_wait3A_153] : memref<32768x128xf32, #tpu.memory_space<hbm>> -> memref<128x128xf32, #tpu.memory_space<hbm>>
        tpu.wait_dma2 semaphore(%run_scoped3A : memref<!tpu.dma_semaphore, #tpu.memory_space<semaphore_mem>>) src(%dma_wait3A_154 : memref<128x128xf32, #tpu.memory_space<hbm>>) dst(%arg6 : memref<128x128xf32, #tpu.memory_space<vmem>>)
        tpu.yield
      }) : () -> ()
      %dma_start3A = arith.constant 0 : i32
      %dma_start3A_142 = arith.constant 0 : i32
      %dma_start3A_143 = tpu.memref_slice %arg4[%dma_start3A, %dma_start3A_142] : memref<262144x128xf32, #tpu.memory_space<hbm>> -> memref<262144x128xf32, #tpu.memory_space<hbm>>
      tpu.enqueue_indirect_dma source(%arg6 : memref<128x128xf32, #tpu.memory_space<vmem>>) target(%dma_start3A_143 : memref<262144x128xf32, #tpu.memory_space<hbm>>) offsets(%arg5 : memref<128xi32, #tpu.memory_space<vmem>>) semaphore(%arg7 : memref<!tpu.dma_semaphore, #tpu.memory_space<semaphore_mem>>)
      %dma_wait3A = arith.constant 0 : i32
      %dma_wait3A_144 = arith.constant 0 : i32
      %dma_wait3A_145 = tpu.memref_slice %arg4[%dma_wait3A, %dma_wait3A_144] : memref<262144x128xf32, #tpu.memory_space<hbm>> -> memref<262144x128xf32, #tpu.memory_space<hbm>>
      tpu.wait_indirect_dma semaphore(%arg7 : memref<!tpu.dma_semaphore, #tpu.memory_space<semaphore_mem>>) src(%arg6 : memref<128x128xf32, #tpu.memory_space<vmem>>) dst(%dma_wait3A_145 : memref<262144x128xf32, #tpu.memory_space<hbm>>)
      %scan3A_146 = arith.constant 0 : i32
      scf.yield %scan3A_146 : i32
    }
    %scan3A_96 = arith.constant 16 : i32
    %mul3A_97 = arith.constant 4 : i32
    %mul3A_98 = arith.muli %add3A, %mul3A_97 : i32
    %add3A_99 = arith.constant 3 : i32
    %add3A_100 = arith.addi %mul3A_98, %add3A_99 : i32
    %jit3A_101 = arith.constant 8 : i32
    %div3A_102 = arith.divsi %add3A_100, %jit3A_101 : i32
    %sign3A_103 = arith.constant 0 : i32
    %sign3A_104 = arith.cmpi sgt, %add3A_100, %sign3A_103 : i32
    %sign3A_105 = arith.extui %sign3A_104 : i1 to i32
    %sign3A_106 = arith.constant 0 : i32
    %sign3A_107 = arith.cmpi slt, %add3A_100, %sign3A_106 : i32
    %sign3A_108 = arith.extui %sign3A_107 : i1 to i32
    %sign3A_109 = arith.subi %sign3A_105, %sign3A_108 : i32
    %sign3A_110 = arith.constant 0 : i32
    %sign3A_111 = arith.cmpi sgt, %jit3A_101, %sign3A_110 : i32
    %sign3A_112 = arith.extui %sign3A_111 : i1 to i32
    %sign3A_113 = arith.constant 0 : i32
    %sign3A_114 = arith.cmpi slt, %jit3A_101, %sign3A_113 : i32
    %sign3A_115 = arith.extui %sign3A_114 : i1 to i32
    %sign3A_116 = arith.subi %sign3A_112, %sign3A_115 : i32
    %ne3A_117 = arith.cmpi ne, %sign3A_109, %sign3A_116 : i32
    %rem3A_118 = arith.remsi %add3A_100, %jit3A_101 : i32
    %ne3A_119 = arith.constant 0 : i32
    %ne3A_120 = arith.cmpi ne, %rem3A_118, %ne3A_119 : i32
    %and3A_121 = arith.andi %ne3A_117, %ne3A_120 : i1
    %sub3A_122 = arith.constant 1 : i32
    %sub3A_123 = arith.subi %div3A_102, %sub3A_122 : i32
    %select_n3A_124 = arith.select %and3A_121, %sub3A_123, %div3A_102 : i32
    %scan3A_125 = arith.constant 0 : i32
    %scan3A_126 = arith.constant 0 : i32
    %scan3A_127 = arith.constant 16 : i32
    %scan3A_128 = arith.addi %scan3A_126, %scan3A_127 : i32
    %scan3A_129 = arith.constant 1 : i32
    %scan3A_130 = scf.for %scan3A_132 = %scan3A_126 to %scan3A_128 step %scan3A_129 iter_args(%scan3A_133 = %scan3A_125) -> (i32)  : i32 {
      %mul3A_134 = arith.constant 128 : i32
      %mul3A_135 = arith.muli %scan3A_132, %mul3A_134 : i32
      %mul3A_136 = arith.constant 2048 : i32
      %mul3A_137 = arith.muli %add3A_100, %mul3A_136 : i32
      %add3A_138 = arith.addi %mul3A_137, %mul3A_135 : i32
      "tpu.region"() ({
        %run_scoped3A = tpu.sem_alloc : memref<!tpu.dma_semaphore, #tpu.memory_space<semaphore_mem>>
        %dma_start3A_147 = tpu.memref_slice %arg3[%add3A_138] : memref<262144xi32, #tpu.memory_space<hbm>> -> memref<128xi32, #tpu.memory_space<hbm>>
        %dma_start3A_148 = tpu.memref_slice %arg3[%add3A_138] : memref<262144xi32, #tpu.memory_space<hbm>> -> memref<128xi32, #tpu.memory_space<hbm>>
        tpu.enqueue_dma source(%dma_start3A_148 : memref<128xi32, #tpu.memory_space<hbm>>) target(%arg5 : memref<128xi32, #tpu.memory_space<vmem>>) target_semaphore(%run_scoped3A : memref<!tpu.dma_semaphore, #tpu.memory_space<semaphore_mem>>)
        %dma_wait3A_149 = tpu.memref_slice %arg3[%add3A_138] : memref<262144xi32, #tpu.memory_space<hbm>> -> memref<128xi32, #tpu.memory_space<hbm>>
        %dma_wait3A_150 = tpu.memref_slice %arg3[%add3A_138] : memref<262144xi32, #tpu.memory_space<hbm>> -> memref<128xi32, #tpu.memory_space<hbm>>
        tpu.wait_dma2 semaphore(%run_scoped3A : memref<!tpu.dma_semaphore, #tpu.memory_space<semaphore_mem>>) src(%dma_wait3A_150 : memref<128xi32, #tpu.memory_space<hbm>>) dst(%arg5 : memref<128xi32, #tpu.memory_space<vmem>>)
        tpu.yield
      }) : () -> ()
      %mul3A_139 = arith.constant 2048 : i32
      %mul3A_140 = arith.muli %select_n3A_124, %mul3A_139 : i32
      %add3A_141 = arith.addi %mul3A_140, %mul3A_135 : i32
      "tpu.region"() ({
        %run_scoped3A = tpu.sem_alloc : memref<!tpu.dma_semaphore, #tpu.memory_space<semaphore_mem>>
        %dma_start3A_147 = arith.constant 0 : i32
        %dma_start3A_148 = tpu.memref_slice %arg2[%add3A_141, %dma_start3A_147] : memref<32768x128xf32, #tpu.memory_space<hbm>> -> memref<128x128xf32, #tpu.memory_space<hbm>>
        %dma_start3A_149 = arith.constant 0 : i32
        %dma_start3A_150 = tpu.memref_slice %arg2[%add3A_141, %dma_start3A_149] : memref<32768x128xf32, #tpu.memory_space<hbm>> -> memref<128x128xf32, #tpu.memory_space<hbm>>
        tpu.enqueue_dma source(%dma_start3A_150 : memref<128x128xf32, #tpu.memory_space<hbm>>) target(%arg6 : memref<128x128xf32, #tpu.memory_space<vmem>>) target_semaphore(%run_scoped3A : memref<!tpu.dma_semaphore, #tpu.memory_space<semaphore_mem>>)
        %dma_wait3A_151 = arith.constant 0 : i32
        %dma_wait3A_152 = tpu.memref_slice %arg2[%add3A_141, %dma_wait3A_151] : memref<32768x128xf32, #tpu.memory_space<hbm>> -> memref<128x128xf32, #tpu.memory_space<hbm>>
        %dma_wait3A_153 = arith.constant 0 : i32
        %dma_wait3A_154 = tpu.memref_slice %arg2[%add3A_141, %dma_wait3A_153] : memref<32768x128xf32, #tpu.memory_space<hbm>> -> memref<128x128xf32, #tpu.memory_space<hbm>>
        tpu.wait_dma2 semaphore(%run_scoped3A : memref<!tpu.dma_semaphore, #tpu.memory_space<semaphore_mem>>) src(%dma_wait3A_154 : memref<128x128xf32, #tpu.memory_space<hbm>>) dst(%arg6 : memref<128x128xf32, #tpu.memory_space<vmem>>)
        tpu.yield
      }) : () -> ()
      %dma_start3A = arith.constant 0 : i32
      %dma_start3A_142 = arith.constant 0 : i32
      %dma_start3A_143 = tpu.memref_slice %arg4[%dma_start3A, %dma_start3A_142] : memref<262144x128xf32, #tpu.memory_space<hbm>> -> memref<262144x128xf32, #tpu.memory_space<hbm>>
      tpu.enqueue_indirect_dma source(%arg6 : memref<128x128xf32, #tpu.memory_space<vmem>>) target(%dma_start3A_143 : memref<262144x128xf32, #tpu.memory_space<hbm>>) offsets(%arg5 : memref<128xi32, #tpu.memory_space<vmem>>) semaphore(%arg7 : memref<!tpu.dma_semaphore, #tpu.memory_space<semaphore_mem>>)
      %dma_wait3A = arith.constant 0 : i32
      %dma_wait3A_144 = arith.constant 0 : i32
      %dma_wait3A_145 = tpu.memref_slice %arg4[%dma_wait3A, %dma_wait3A_144] : memref<262144x128xf32, #tpu.memory_space<hbm>> -> memref<262144x128xf32, #tpu.memory_space<hbm>>
      tpu.wait_indirect_dma semaphore(%arg7 : memref<!tpu.dma_semaphore, #tpu.memory_space<semaphore_mem>>) src(%arg6 : memref<128x128xf32, #tpu.memory_space<vmem>>) dst(%dma_wait3A_145 : memref<262144x128xf32, #tpu.memory_space<hbm>>)
      %scan3A_146 = arith.constant 0 : i32
      scf.yield %scan3A_146 : i32
    }
    %scan3A_131 = arith.constant 16 : i32
    return
  }
}

#map = affine_map<(d0, d1) -> (0, 0)>
#map1 = affine_map<(d0, d1) -> (0)>
module attributes {stable_mosaic.version = 14 : i64} {
  func.func @k(%arg0: i32, %arg1: i32, %arg2: memref<262144x128xf32, #tpu.memory_space<hbm>>, %arg3: memref<262144xi32, #tpu.memory_space<hbm>>, %arg4: memref<262144x128xf32, #tpu.memory_space<hbm>>, %arg5: memref<128xi32, #tpu.memory_space<vmem>>, %arg6: memref<128x128xf32, #tpu.memory_space<vmem>>, %arg7: memref<!tpu.dma_semaphore, #tpu.memory_space<semaphore_mem>>) attributes {dimension_semantics = [#tpu.dimension_semantics<core_parallel>, #tpu.dimension_semantics<subcore_parallel>], iteration_bounds = array<i64: 2, 16>, scalar_prefetch = 0 : i64, scratch_operands = 3 : i64, tpu.core_type = #tpu.core_type<sc_vector_subcore>, window_params = [{transform_indices = #map}, {transform_indices = #map1}, {transform_indices = #map}]} {
    %mul3A = arith.constant 2 : i32
    %mul3A_0 = arith.muli %arg1, %mul3A : i32
    %add3A = arith.addi %mul3A_0, %arg0 : i32
    %mul3A_1 = arith.constant 8192 : i32
    %mul3A_2 = arith.muli %add3A, %mul3A_1 : i32
    %scan3A = arith.constant 0 : i32
    %scan3A_3 = arith.constant 0 : i32
    %scan3A_4 = arith.constant 64 : i32
    %scan3A_5 = arith.addi %scan3A_3, %scan3A_4 : i32
    %scan3A_6 = arith.constant 1 : i32
    %scan3A_7 = scf.for %scan3A_9 = %scan3A_3 to %scan3A_5 step %scan3A_6 iter_args(%scan3A_10 = %scan3A) -> (i32)  : i32 {
      %mul3A_11 = arith.constant 128 : i32
      %mul3A_12 = arith.muli %scan3A_9, %mul3A_11 : i32
      %add3A_13 = arith.addi %mul3A_2, %mul3A_12 : i32
      "tpu.region"() ({
        %run_scoped3A = tpu.sem_alloc : memref<!tpu.dma_semaphore, #tpu.memory_space<semaphore_mem>>
        %dma_start3A_19 = tpu.memref_slice %arg3[%add3A_13] : memref<262144xi32, #tpu.memory_space<hbm>> -> memref<128xi32, #tpu.memory_space<hbm>>
        %dma_start3A_20 = tpu.memref_slice %arg3[%add3A_13] : memref<262144xi32, #tpu.memory_space<hbm>> -> memref<128xi32, #tpu.memory_space<hbm>>
        tpu.enqueue_dma source(%dma_start3A_20 : memref<128xi32, #tpu.memory_space<hbm>>) target(%arg5 : memref<128xi32, #tpu.memory_space<vmem>>) target_semaphore(%run_scoped3A : memref<!tpu.dma_semaphore, #tpu.memory_space<semaphore_mem>>)
        %dma_wait3A_21 = tpu.memref_slice %arg3[%add3A_13] : memref<262144xi32, #tpu.memory_space<hbm>> -> memref<128xi32, #tpu.memory_space<hbm>>
        %dma_wait3A_22 = tpu.memref_slice %arg3[%add3A_13] : memref<262144xi32, #tpu.memory_space<hbm>> -> memref<128xi32, #tpu.memory_space<hbm>>
        tpu.wait_dma2 semaphore(%run_scoped3A : memref<!tpu.dma_semaphore, #tpu.memory_space<semaphore_mem>>) src(%dma_wait3A_22 : memref<128xi32, #tpu.memory_space<hbm>>) dst(%arg5 : memref<128xi32, #tpu.memory_space<vmem>>)
        tpu.yield
      }) : () -> ()
      %dma_start3A = arith.constant 0 : i32
      %dma_start3A_14 = arith.constant 0 : i32
      %dma_start3A_15 = tpu.memref_slice %arg2[%dma_start3A, %dma_start3A_14] : memref<262144x128xf32, #tpu.memory_space<hbm>> -> memref<262144x128xf32, #tpu.memory_space<hbm>>
      tpu.enqueue_indirect_dma source(%dma_start3A_15 : memref<262144x128xf32, #tpu.memory_space<hbm>>) target(%arg6 : memref<128x128xf32, #tpu.memory_space<vmem>>) offsets(%arg5 : memref<128xi32, #tpu.memory_space<vmem>>) semaphore(%arg7 : memref<!tpu.dma_semaphore, #tpu.memory_space<semaphore_mem>>)
      %dma_wait3A = arith.constant 0 : i32
      %dma_wait3A_16 = arith.constant 0 : i32
      %dma_wait3A_17 = tpu.memref_slice %arg2[%dma_wait3A, %dma_wait3A_16] : memref<262144x128xf32, #tpu.memory_space<hbm>> -> memref<262144x128xf32, #tpu.memory_space<hbm>>
      tpu.wait_indirect_dma semaphore(%arg7 : memref<!tpu.dma_semaphore, #tpu.memory_space<semaphore_mem>>) src(%dma_wait3A_17 : memref<262144x128xf32, #tpu.memory_space<hbm>>) dst(%arg6 : memref<128x128xf32, #tpu.memory_space<vmem>>)
      "tpu.region"() ({
        %run_scoped3A = tpu.sem_alloc : memref<!tpu.dma_semaphore, #tpu.memory_space<semaphore_mem>>
        %dma_start3A_19 = arith.constant 0 : i32
        %dma_start3A_20 = tpu.memref_slice %arg4[%add3A_13, %dma_start3A_19] : memref<262144x128xf32, #tpu.memory_space<hbm>> -> memref<128x128xf32, #tpu.memory_space<hbm>>
        %dma_start3A_21 = arith.constant 0 : i32
        %dma_start3A_22 = tpu.memref_slice %arg4[%add3A_13, %dma_start3A_21] : memref<262144x128xf32, #tpu.memory_space<hbm>> -> memref<128x128xf32, #tpu.memory_space<hbm>>
        tpu.enqueue_dma source(%arg6 : memref<128x128xf32, #tpu.memory_space<vmem>>) target(%dma_start3A_22 : memref<128x128xf32, #tpu.memory_space<hbm>>) target_semaphore(%run_scoped3A : memref<!tpu.dma_semaphore, #tpu.memory_space<semaphore_mem>>)
        %dma_wait3A_23 = arith.constant 0 : i32
        %dma_wait3A_24 = tpu.memref_slice %arg4[%add3A_13, %dma_wait3A_23] : memref<262144x128xf32, #tpu.memory_space<hbm>> -> memref<128x128xf32, #tpu.memory_space<hbm>>
        %dma_wait3A_25 = arith.constant 0 : i32
        %dma_wait3A_26 = tpu.memref_slice %arg4[%add3A_13, %dma_wait3A_25] : memref<262144x128xf32, #tpu.memory_space<hbm>> -> memref<128x128xf32, #tpu.memory_space<hbm>>
        tpu.wait_dma2 semaphore(%run_scoped3A : memref<!tpu.dma_semaphore, #tpu.memory_space<semaphore_mem>>) src(%arg6 : memref<128x128xf32, #tpu.memory_space<vmem>>) dst(%dma_wait3A_26 : memref<128x128xf32, #tpu.memory_space<hbm>>)
        tpu.yield
      }) : () -> ()
      %scan3A_18 = arith.constant 0 : i32
      scf.yield %scan3A_18 : i32
    }
    %scan3A_8 = arith.constant 64 : i32
    return
  }
}

module attributes {stable_mosaic.version = 14 : i64} {
  func.func @_hash_pos_body(%arg0: i32, %arg1: memref<1x2048x64xf32, #tpu.memory_space<vmem>>, %arg2: memref<1x2048x64xf32, #tpu.memory_space<vmem>>, %arg3: memref<64x128xf32, #tpu.memory_space<vmem>>, %arg4: memref<1x8x2048xi32, #tpu.memory_space<vmem>>, %arg5: memref<1x2048x128xf32, #tpu.memory_space<vmem>>, %arg6: memref<1x512x64xi32, #tpu.memory_space<vmem>>) attributes {dimension_semantics = [#tpu.dimension_semantics<arbitrary>], iteration_bounds = array<i64: 16>, scalar_prefetch = 0 : i64, scratch_operands = 0 : i64, tpu.core_type = #tpu.core_type<tc>, window_params = [{transform_indices = @transform_0, window_bounds = array<i64: 1, 2048, 64>}, {transform_indices = @transform_1, window_bounds = array<i64: 1, 2048, 64>}, {pipeline_mode = #tpu.pipeline_mode<synchronous>, transform_indices = @transform_2, window_bounds = array<i64: 64, 128>}, {transform_indices = @transform_3, window_bounds = array<i64: 1, 8, 2048>}, {transform_indices = @transform_4, window_bounds = array<i64: 1, 2048, 128>}, {transform_indices = @transform_5, window_bounds = array<i64: 1, 512, 64>}]} {
    %get3A = arith.constant 0 : index
    %get3A_0 = arith.constant 0 : index
    %get3A_1 = arith.constant 0 : index
    %get3A_2 = vector.load %arg1[%get3A, %get3A_0, %get3A_1] : memref<1x2048x64xf32, #tpu.memory_space<vmem>>, vector<1x2048x64xf32>
    %get3A_3 = vector.shape_cast %get3A_2 : vector<1x2048x64xf32> to vector<2048x64xf32>
    %get3A_4 = arith.constant 0 : index
    %get3A_5 = arith.constant 0 : index
    %get3A_6 = vector.load %arg3[%get3A_4, %get3A_5] : memref<64x128xf32, #tpu.memory_space<vmem>>, vector<64x128xf32>
    %get3A_7 = arith.constant 0 : index
    %get3A_8 = arith.constant 0 : index
    %get3A_9 = arith.constant 0 : index
    %get3A_10 = vector.load %arg2[%get3A_7, %get3A_8, %get3A_9] : memref<1x2048x64xf32, #tpu.memory_space<vmem>>, vector<1x2048x64xf32>
    %get3A_11 = vector.shape_cast %get3A_10 : vector<1x2048x64xf32> to vector<2048x64xf32>
    %concatenate3A = tpu.concatenate %get3A_3, %get3A_11 in 1 : vector<2048x64xf32>, vector<2048x64xf32> -> vector<2048x128xf32>
    %swap3A = arith.constant 0 : index
    %swap3A_12 = arith.constant 0 : index
    %swap3A_13 = arith.constant 0 : index
    %swap3A_14 = vector.load %arg5[%swap3A, %swap3A_12, %swap3A_13] : memref<1x2048x128xf32, #tpu.memory_space<vmem>>, vector<1x2048x128xf32>
    %swap3A_15 = vector.shape_cast %swap3A_14 : vector<1x2048x128xf32> to vector<2048x128xf32>
    %swap3A_16 = vector.shape_cast %concatenate3A : vector<2048x128xf32> to vector<1x2048x128xf32>
    tpu.vector_store %arg5[%swap3A, %swap3A_12, %swap3A_13], %swap3A_16 {strides = array<i32>} : memref<1x2048x128xf32, #tpu.memory_space<vmem>>, vector<1x2048x128xf32>,
    %iota3A = tpu.iota {dimensions = array<i32: 1>} : vector<2048x32xi32>
    %iota3A_17 = tpu.iota {dimensions = array<i32: 0>} : vector<32x32xi32>
    %iota3A_18 = tpu.iota {dimensions = array<i32: 1>} : vector<32x32xi32>
    %lt3A = arith.cmpi slt, %iota3A_17, %iota3A_18 : vector<32x32xi32>
    %convert_element_type3A = arith.extui %lt3A : vector<32x32xi1> to vector<32x32xi32>
    %convert_element_type3A_19 = arith.sitofp %convert_element_type3A : vector<32x32xi32> to vector<32x32xf32>
    %iota3A_20 = tpu.iota {dimensions = array<i32: 0>} : vector<2048x2048xi32>
    %iota3A_21 = tpu.iota {dimensions = array<i32: 1>} : vector<2048x2048xi32>
    %eq3A = arith.cmpi eq, %iota3A_20, %iota3A_21 : vector<2048x2048xi32>
    %convert_element_type3A_22 = arith.extui %eq3A : vector<2048x2048xi1> to vector<2048x2048xi32>
    %convert_element_type3A_23 = arith.sitofp %convert_element_type3A_22 : vector<2048x2048xi32> to vector<2048x2048xf32>
    %iota3A_24 = tpu.iota {dimensions = array<i32: 0>} : vector<64x64xi32>
    %iota3A_25 = tpu.iota {dimensions = array<i32: 1>} : vector<64x64xi32>
    %eq3A_26 = arith.cmpi eq, %iota3A_24, %iota3A_25 : vector<64x64xi32>
    %convert_element_type3A_27 = arith.extui %eq3A_26 : vector<64x64xi1> to vector<64x64xi32>
    %convert_element_type3A_28 = arith.sitofp %convert_element_type3A_27 : vector<64x64xi32> to vector<64x64xf32>
    %iota3A_29 = tpu.iota {dimensions = array<i32: 0>} : vector<2048x1xi32>
    %iota3A_30 = tpu.iota {dimensions = array<i32: 1>} : vector<2048x64xi32>
    %slice3A = vector.extract_strided_slice %get3A_6 {offsets = [0, 0], sizes = [64, 16], strides = [1, 1]} : vector<64x128xf32> to vector<64x16xf32>
    %dot_general3A = arith.constant dense<0.000000e+00> : vector<2048x16xf32>
    %dot_general3A_31 = tpu.matmul %get3A_3, %slice3A, %dot_general3A {dimension_numbers = #tpu.dot_dimension_numbers<[1], [0], [0], [1], [0, 0, 1, 1], [], []>, transpose_lhs_hint = false} : vector<2048x64xf32>, vector<64x16xf32>, vector<2048x16xf32> -> vector<2048x16xf32>
    %neg3A = arith.constant 0.000000e+00 : f32
    %neg3A_32 = vector.broadcast %neg3A : f32 to vector<2048x16xf32>
    %neg3A_33 = arith.subf %neg3A_32, %dot_general3A_31 : vector<2048x16xf32>
    %concatenate3A_34 = tpu.concatenate %dot_general3A_31, %neg3A_33 in 1 : vector<2048x16xf32>, vector<2048x16xf32> -> vector<2048x32xf32>
    %reduce_max3A = arith.constant dense<0xFF800000> : vector<2048xf32>
    %reduce_max3A_35 = vector.multi_reduction <maximumf>, %concatenate3A_34, %reduce_max3A [1] : vector<2048x32xf32> to vector<2048xf32>
    %broadcast_in_dim3A = vector.shape_cast %reduce_max3A_35 : vector<2048xf32> to vector<2048x1xf32>
    %eq3A_36 = vector.broadcast %broadcast_in_dim3A : vector<2048x1xf32> to vector<2048x32xf32>
    %eq3A_37 = arith.cmpf oeq, %concatenate3A_34, %eq3A_36 : vector<2048x32xf32>
    %jit3A = arith.constant 33 : i32
    %broadcast_in_dim3A_38 = vector.broadcast %jit3A : i32 to vector<2048x32xi32>
    %select_n3A = arith.select %eq3A_37, %iota3A, %broadcast_in_dim3A_38 : vector<2048x32xi1>, vector<2048x32xi32>
    %reduce_min3A = arith.constant dense<2147483647> : vector<2048xi32>
    %reduce_min3A_39 = vector.multi_reduction <minsi>, %select_n3A, %reduce_min3A [1] : vector<2048x32xi32> to vector<2048xi32>
    %broadcast_in_dim3A_40 = vector.shape_cast %reduce_min3A_39 : vector<2048xi32> to vector<2048x1xi32>
    %eq3A_41 = vector.broadcast %broadcast_in_dim3A_40 : vector<2048x1xi32> to vector<2048x32xi32>
    %eq3A_42 = arith.cmpi eq, %eq3A_41, %iota3A : vector<2048x32xi32>
    %convert_element_type3A_43 = arith.extui %eq3A_42 : vector<2048x32xi1> to vector<2048x32xi32>
    %convert_element_type3A_44 = arith.sitofp %convert_element_type3A_43 : vector<2048x32xi32> to vector<2048x32xf32>
    %slice3A_45 = vector.extract_strided_slice %get3A_6 {offsets = [0, 16], sizes = [64, 16], strides = [1, 1]} : vector<64x128xf32> to vector<64x16xf32>
    %dot_general3A_46 = arith.constant dense<0.000000e+00> : vector<2048x16xf32>
    %dot_general3A_47 = tpu.matmul %get3A_3, %slice3A_45, %dot_general3A_46 {dimension_numbers = #tpu.dot_dimension_numbers<[1], [0], [0], [1], [0, 0, 1, 1], [], []>, transpose_lhs_hint = false} : vector<2048x64xf32>, vector<64x16xf32>, vector<2048x16xf32> -> vector<2048x16xf32>
    %neg3A_48 = arith.constant 0.000000e+00 : f32
    %neg3A_49 = vector.broadcast %neg3A_48 : f32 to vector<2048x16xf32>
    %neg3A_50 = arith.subf %neg3A_49, %dot_general3A_47 : vector<2048x16xf32>
    %concatenate3A_51 = tpu.concatenate %dot_general3A_47, %neg3A_50 in 1 : vector<2048x16xf32>, vector<2048x16xf32> -> vector<2048x32xf32>
    %reduce_max3A_52 = arith.constant dense<0xFF800000> : vector<2048xf32>
    %reduce_max3A_53 = vector.multi_reduction <maximumf>, %concatenate3A_51, %reduce_max3A_52 [1] : vector<2048x32xf32> to vector<2048xf32>
    %broadcast_in_dim3A_54 = vector.shape_cast %reduce_max3A_53 : vector<2048xf32> to vector<2048x1xf32>
    %eq3A_55 = vector.broadcast %broadcast_in_dim3A_54 : vector<2048x1xf32> to vector<2048x32xf32>
    %eq3A_56 = arith.cmpf oeq, %concatenate3A_51, %eq3A_55 : vector<2048x32xf32>
    %jit3A_57 = arith.constant 33 : i32
    %broadcast_in_dim3A_58 = vector.broadcast %jit3A_57 : i32 to vector<2048x32xi32>
    %select_n3A_59 = arith.select %eq3A_56, %iota3A, %broadcast_in_dim3A_58 : vector<2048x32xi1>, vector<2048x32xi32>
    %reduce_min3A_60 = arith.constant dense<2147483647> : vector<2048xi32>
    %reduce_min3A_61 = vector.multi_reduction <minsi>, %select_n3A_59, %reduce_min3A_60 [1] : vector<2048x32xi32> to vector<2048xi32>
    %broadcast_in_dim3A_62 = vector.shape_cast %reduce_min3A_61 : vector<2048xi32> to vector<2048x1xi32>
    %eq3A_63 = vector.broadcast %broadcast_in_dim3A_62 : vector<2048x1xi32> to vector<2048x32xi32>
    %eq3A_64 = arith.cmpi eq, %eq3A_63, %iota3A : vector<2048x32xi32>
    %convert_element_type3A_65 = arith.extui %eq3A_64 : vector<2048x32xi1> to vector<2048x32xi32>
    %convert_element_type3A_66 = arith.sitofp %convert_element_type3A_65 : vector<2048x32xi32> to vector<2048x32xf32>
    %slice3A_67 = vector.extract_strided_slice %get3A_6 {offsets = [0, 32], sizes = [64, 16], strides = [1, 1]} : vector<64x128xf32> to vector<64x16xf32>
    %dot_general3A_68 = arith.constant dense<0.000000e+00> : vector<2048x16xf32>
    %dot_general3A_69 = tpu.matmul %get3A_3, %slice3A_67, %dot_general3A_68 {dimension_numbers = #tpu.dot_dimension_numbers<[1], [0], [0], [1], [0, 0, 1, 1], [], []>, transpose_lhs_hint = false} : vector<2048x64xf32>, vector<64x16xf32>, vector<2048x16xf32> -> vector<2048x16xf32>
    %neg3A_70 = arith.constant 0.000000e+00 : f32
    %neg3A_71 = vector.broadcast %neg3A_70 : f32 to vector<2048x16xf32>
    %neg3A_72 = arith.subf %neg3A_71, %dot_general3A_69 : vector<2048x16xf32>
    %concatenate3A_73 = tpu.concatenate %dot_general3A_69, %neg3A_72 in 1 : vector<2048x16xf32>, vector<2048x16xf32> -> vector<2048x32xf32>
    %reduce_max3A_74 = arith.constant dense<0xFF800000> : vector<2048xf32>
    %reduce_max3A_75 = vector.multi_reduction <maximumf>, %concatenate3A_73, %reduce_max3A_74 [1] : vector<2048x32xf32> to vector<2048xf32>
    %broadcast_in_dim3A_76 = vector.shape_cast %reduce_max3A_75 : vector<2048xf32> to vector<2048x1xf32>
    %eq3A_77 = vector.broadcast %broadcast_in_dim3A_76 : vector<2048x1xf32> to vector<2048x32xf32>
    %eq3A_78 = arith.cmpf oeq, %concatenate3A_73, %eq3A_77 : vector<2048x32xf32>
    %jit3A_79 = arith.constant 33 : i32
    %broadcast_in_dim3A_80 = vector.broadcast %jit3A_79 : i32 to vector<2048x32xi32>
    %select_n3A_81 = arith.select %eq3A_78, %iota3A, %broadcast_in_dim3A_80 : vector<2048x32xi1>, vector<2048x32xi32>
    %reduce_min3A_82 = arith.constant dense<2147483647> : vector<2048xi32>
    %reduce_min3A_83 = vector.multi_reduction <minsi>, %select_n3A_81, %reduce_min3A_82 [1] : vector<2048x32xi32> to vector<2048xi32>
    %broadcast_in_dim3A_84 = vector.shape_cast %reduce_min3A_83 : vector<2048xi32> to vector<2048x1xi32>
    %eq3A_85 = vector.broadcast %broadcast_in_dim3A_84 : vector<2048x1xi32> to vector<2048x32xi32>
    %eq3A_86 = arith.cmpi eq, %eq3A_85, %iota3A : vector<2048x32xi32>
    %convert_element_type3A_87 = arith.extui %eq3A_86 : vector<2048x32xi1> to vector<2048x32xi32>
    %convert_element_type3A_88 = arith.sitofp %convert_element_type3A_87 : vector<2048x32xi32> to vector<2048x32xf32>
    %slice3A_89 = vector.extract_strided_slice %get3A_6 {offsets = [0, 48], sizes = [64, 16], strides = [1, 1]} : vector<64x128xf32> to vector<64x16xf32>
    %dot_general3A_90 = arith.constant dense<0.000000e+00> : vector<2048x16xf32>
    %dot_general3A_91 = tpu.matmul %get3A_3, %slice3A_89, %dot_general3A_90 {dimension_numbers = #tpu.dot_dimension_numbers<[1], [0], [0], [1], [0, 0, 1, 1], [], []>, transpose_lhs_hint = false} : vector<2048x64xf32>, vector<64x16xf32>, vector<2048x16xf32> -> vector<2048x16xf32>
    %neg3A_92 = arith.constant 0.000000e+00 : f32
    %neg3A_93 = vector.broadcast %neg3A_92 : f32 to vector<2048x16xf32>
    %neg3A_94 = arith.subf %neg3A_93, %dot_general3A_91 : vector<2048x16xf32>
    %concatenate3A_95 = tpu.concatenate %dot_general3A_91, %neg3A_94 in 1 : vector<2048x16xf32>, vector<2048x16xf32> -> vector<2048x32xf32>
    %reduce_max3A_96 = arith.constant dense<0xFF800000> : vector<2048xf32>
    %reduce_max3A_97 = vector.multi_reduction <maximumf>, %concatenate3A_95, %reduce_max3A_96 [1] : vector<2048x32xf32> to vector<2048xf32>
    %broadcast_in_dim3A_98 = vector.shape_cast %reduce_max3A_97 : vector<2048xf32> to vector<2048x1xf32>
    %eq3A_99 = vector.broadcast %broadcast_in_dim3A_98 : vector<2048x1xf32> to vector<2048x32xf32>
    %eq3A_100 = arith.cmpf oeq, %concatenate3A_95, %eq3A_99 : vector<2048x32xf32>
    %jit3A_101 = arith.constant 33 : i32
    %broadcast_in_dim3A_102 = vector.broadcast %jit3A_101 : i32 to vector<2048x32xi32>
    %select_n3A_103 = arith.select %eq3A_100, %iota3A, %broadcast_in_dim3A_102 : vector<2048x32xi1>, vector<2048x32xi32>
    %reduce_min3A_104 = arith.constant dense<2147483647> : vector<2048xi32>
    %reduce_min3A_105 = vector.multi_reduction <minsi>, %select_n3A_103, %reduce_min3A_104 [1] : vector<2048x32xi32> to vector<2048xi32>
    %broadcast_in_dim3A_106 = vector.shape_cast %reduce_min3A_105 : vector<2048xi32> to vector<2048x1xi32>
    %eq3A_107 = vector.broadcast %broadcast_in_dim3A_106 : vector<2048x1xi32> to vector<2048x32xi32>
    %eq3A_108 = arith.cmpi eq, %eq3A_107, %iota3A : vector<2048x32xi32>
    %convert_element_type3A_109 = arith.extui %eq3A_108 : vector<2048x32xi1> to vector<2048x32xi32>
    %convert_element_type3A_110 = arith.sitofp %convert_element_type3A_109 : vector<2048x32xi32> to vector<2048x32xf32>
    %slice3A_111 = vector.extract_strided_slice %get3A_6 {offsets = [0, 64], sizes = [64, 16], strides = [1, 1]} : vector<64x128xf32> to vector<64x16xf32>
    %dot_general3A_112 = arith.constant dense<0.000000e+00> : vector<2048x16xf32>
    %dot_general3A_113 = tpu.matmul %get3A_3, %slice3A_111, %dot_general3A_112 {dimension_numbers = #tpu.dot_dimension_numbers<[1], [0], [0], [1], [0, 0, 1, 1], [], []>, transpose_lhs_hint = false} : vector<2048x64xf32>, vector<64x16xf32>, vector<2048x16xf32> -> vector<2048x16xf32>
    %neg3A_114 = arith.constant 0.000000e+00 : f32
    %neg3A_115 = vector.broadcast %neg3A_114 : f32 to vector<2048x16xf32>
    %neg3A_116 = arith.subf %neg3A_115, %dot_general3A_113 : vector<2048x16xf32>
    %concatenate3A_117 = tpu.concatenate %dot_general3A_113, %neg3A_116 in 1 : vector<2048x16xf32>, vector<2048x16xf32> -> vector<2048x32xf32>
    %reduce_max3A_118 = arith.constant dense<0xFF800000> : vector<2048xf32>
    %reduce_max3A_119 = vector.multi_reduction <maximumf>, %concatenate3A_117, %reduce_max3A_118 [1] : vector<2048x32xf32> to vector<2048xf32>
    %broadcast_in_dim3A_120 = vector.shape_cast %reduce_max3A_119 : vector<2048xf32> to vector<2048x1xf32>
    %eq3A_121 = vector.broadcast %broadcast_in_dim3A_120 : vector<2048x1xf32> to vector<2048x32xf32>
    %eq3A_122 = arith.cmpf oeq, %concatenate3A_117, %eq3A_121 : vector<2048x32xf32>
    %jit3A_123 = arith.constant 33 : i32
    %broadcast_in_dim3A_124 = vector.broadcast %jit3A_123 : i32 to vector<2048x32xi32>
    %select_n3A_125 = arith.select %eq3A_122, %iota3A, %broadcast_in_dim3A_124 : vector<2048x32xi1>, vector<2048x32xi32>
    %reduce_min3A_126 = arith.constant dense<2147483647> : vector<2048xi32>
    %reduce_min3A_127 = vector.multi_reduction <minsi>, %select_n3A_125, %reduce_min3A_126 [1] : vector<2048x32xi32> to vector<2048xi32>
    %broadcast_in_dim3A_128 = vector.shape_cast %reduce_min3A_127 : vector<2048xi32> to vector<2048x1xi32>
    %eq3A_129 = vector.broadcast %broadcast_in_dim3A_128 : vector<2048x1xi32> to vector<2048x32xi32>
    %eq3A_130 = arith.cmpi eq, %eq3A_129, %iota3A : vector<2048x32xi32>
    %convert_element_type3A_131 = arith.extui %eq3A_130 : vector<2048x32xi1> to vector<2048x32xi32>
    %convert_element_type3A_132 = arith.sitofp %convert_element_type3A_131 : vector<2048x32xi32> to vector<2048x32xf32>
    %slice3A_133 = vector.extract_strided_slice %get3A_6 {offsets = [0, 80], sizes = [64, 16], strides = [1, 1]} : vector<64x128xf32> to vector<64x16xf32>
    %dot_general3A_134 = arith.constant dense<0.000000e+00> : vector<2048x16xf32>
    %dot_general3A_135 = tpu.matmul %get3A_3, %slice3A_133, %dot_general3A_134 {dimension_numbers = #tpu.dot_dimension_numbers<[1], [0], [0], [1], [0, 0, 1, 1], [], []>, transpose_lhs_hint = false} : vector<2048x64xf32>, vector<64x16xf32>, vector<2048x16xf32> -> vector<2048x16xf32>
    %neg3A_136 = arith.constant 0.000000e+00 : f32
    %neg3A_137 = vector.broadcast %neg3A_136 : f32 to vector<2048x16xf32>
    %neg3A_138 = arith.subf %neg3A_137, %dot_general3A_135 : vector<2048x16xf32>
    %concatenate3A_139 = tpu.concatenate %dot_general3A_135, %neg3A_138 in 1 : vector<2048x16xf32>, vector<2048x16xf32> -> vector<2048x32xf32>
    %reduce_max3A_140 = arith.constant dense<0xFF800000> : vector<2048xf32>
    %reduce_max3A_141 = vector.multi_reduction <maximumf>, %concatenate3A_139, %reduce_max3A_140 [1] : vector<2048x32xf32> to vector<2048xf32>
    %broadcast_in_dim3A_142 = vector.shape_cast %reduce_max3A_141 : vector<2048xf32> to vector<2048x1xf32>
    %eq3A_143 = vector.broadcast %broadcast_in_dim3A_142 : vector<2048x1xf32> to vector<2048x32xf32>
    %eq3A_144 = arith.cmpf oeq, %concatenate3A_139, %eq3A_143 : vector<2048x32xf32>
    %jit3A_145 = arith.constant 33 : i32
    %broadcast_in_dim3A_146 = vector.broadcast %jit3A_145 : i32 to vector<2048x32xi32>
    %select_n3A_147 = arith.select %eq3A_144, %iota3A, %broadcast_in_dim3A_146 : vector<2048x32xi1>, vector<2048x32xi32>
    %reduce_min3A_148 = arith.constant dense<2147483647> : vector<2048xi32>
    %reduce_min3A_149 = vector.multi_reduction <minsi>, %select_n3A_147, %reduce_min3A_148 [1] : vector<2048x32xi32> to vector<2048xi32>
    %broadcast_in_dim3A_150 = vector.shape_cast %reduce_min3A_149 : vector<2048xi32> to vector<2048x1xi32>
    %eq3A_151 = vector.broadcast %broadcast_in_dim3A_150 : vector<2048x1xi32> to vector<2048x32xi32>
    %eq3A_152 = arith.cmpi eq, %eq3A_151, %iota3A : vector<2048x32xi32>
    %convert_element_type3A_153 = arith.extui %eq3A_152 : vector<2048x32xi1> to vector<2048x32xi32>
    %convert_element_type3A_154 = arith.sitofp %convert_element_type3A_153 : vector<2048x32xi32> to vector<2048x32xf32>
    %slice3A_155 = vector.extract_strided_slice %get3A_6 {offsets = [0, 96], sizes = [64, 16], strides = [1, 1]} : vector<64x128xf32> to vector<64x16xf32>
    %dot_general3A_156 = arith.constant dense<0.000000e+00> : vector<2048x16xf32>
    %dot_general3A_157 = tpu.matmul %get3A_3, %slice3A_155, %dot_general3A_156 {dimension_numbers = #tpu.dot_dimension_numbers<[1], [0], [0], [1], [0, 0, 1, 1], [], []>, transpose_lhs_hint = false} : vector<2048x64xf32>, vector<64x16xf32>, vector<2048x16xf32> -> vector<2048x16xf32>
    %neg3A_158 = arith.constant 0.000000e+00 : f32
    %neg3A_159 = vector.broadcast %neg3A_158 : f32 to vector<2048x16xf32>
    %neg3A_160 = arith.subf %neg3A_159, %dot_general3A_157 : vector<2048x16xf32>
    %concatenate3A_161 = tpu.concatenate %dot_general3A_157, %neg3A_160 in 1 : vector<2048x16xf32>, vector<2048x16xf32> -> vector<2048x32xf32>
    %reduce_max3A_162 = arith.constant dense<0xFF800000> : vector<2048xf32>
    %reduce_max3A_163 = vector.multi_reduction <maximumf>, %concatenate3A_161, %reduce_max3A_162 [1] : vector<2048x32xf32> to vector<2048xf32>
    %broadcast_in_dim3A_164 = vector.shape_cast %reduce_max3A_163 : vector<2048xf32> to vector<2048x1xf32>
    %eq3A_165 = vector.broadcast %broadcast_in_dim3A_164 : vector<2048x1xf32> to vector<2048x32xf32>
    %eq3A_166 = arith.cmpf oeq, %concatenate3A_161, %eq3A_165 : vector<2048x32xf32>
    %jit3A_167 = arith.constant 33 : i32
    %broadcast_in_dim3A_168 = vector.broadcast %jit3A_167 : i32 to vector<2048x32xi32>
    %select_n3A_169 = arith.select %eq3A_166, %iota3A, %broadcast_in_dim3A_168 : vector<2048x32xi1>, vector<2048x32xi32>
    %reduce_min3A_170 = arith.constant dense<2147483647> : vector<2048xi32>
    %reduce_min3A_171 = vector.multi_reduction <minsi>, %select_n3A_169, %reduce_min3A_170 [1] : vector<2048x32xi32> to vector<2048xi32>
    %broadcast_in_dim3A_172 = vector.shape_cast %reduce_min3A_171 : vector<2048xi32> to vector<2048x1xi32>
    %eq3A_173 = vector.broadcast %broadcast_in_dim3A_172 : vector<2048x1xi32> to vector<2048x32xi32>
    %eq3A_174 = arith.cmpi eq, %eq3A_173, %iota3A : vector<2048x32xi32>
    %convert_element_type3A_175 = arith.extui %eq3A_174 : vector<2048x32xi1> to vector<2048x32xi32>
    %convert_element_type3A_176 = arith.sitofp %convert_element_type3A_175 : vector<2048x32xi32> to vector<2048x32xf32>
    %slice3A_177 = vector.extract_strided_slice %get3A_6 {offsets = [0, 112], sizes = [64, 16], strides = [1, 1]} : vector<64x128xf32> to vector<64x16xf32>
    %dot_general3A_178 = arith.constant dense<0.000000e+00> : vector<2048x16xf32>
    %dot_general3A_179 = tpu.matmul %get3A_3, %slice3A_177, %dot_general3A_178 {dimension_numbers = #tpu.dot_dimension_numbers<[1], [0], [0], [1], [0, 0, 1, 1], [], []>, transpose_lhs_hint = false} : vector<2048x64xf32>, vector<64x16xf32>, vector<2048x16xf32> -> vector<2048x16xf32>
    %neg3A_180 = arith.constant 0.000000e+00 : f32
    %neg3A_181 = vector.broadcast %neg3A_180 : f32 to vector<2048x16xf32>
    %neg3A_182 = arith.subf %neg3A_181, %dot_general3A_179 : vector<2048x16xf32>
    %concatenate3A_183 = tpu.concatenate %dot_general3A_179, %neg3A_182 in 1 : vector<2048x16xf32>, vector<2048x16xf32> -> vector<2048x32xf32>
    %reduce_max3A_184 = arith.constant dense<0xFF800000> : vector<2048xf32>
    %reduce_max3A_185 = vector.multi_reduction <maximumf>, %concatenate3A_183, %reduce_max3A_184 [1] : vector<2048x32xf32> to vector<2048xf32>
    %broadcast_in_dim3A_186 = vector.shape_cast %reduce_max3A_185 : vector<2048xf32> to vector<2048x1xf32>
    %eq3A_187 = vector.broadcast %broadcast_in_dim3A_186 : vector<2048x1xf32> to vector<2048x32xf32>
    %eq3A_188 = arith.cmpf oeq, %concatenate3A_183, %eq3A_187 : vector<2048x32xf32>
    %jit3A_189 = arith.constant 33 : i32
    %broadcast_in_dim3A_190 = vector.broadcast %jit3A_189 : i32 to vector<2048x32xi32>
    %select_n3A_191 = arith.select %eq3A_188, %iota3A, %broadcast_in_dim3A_190 : vector<2048x32xi1>, vector<2048x32xi32>
    %reduce_min3A_192 = arith.constant dense<2147483647> : vector<2048xi32>
    %reduce_min3A_193 = vector.multi_reduction <minsi>, %select_n3A_191, %reduce_min3A_192 [1] : vector<2048x32xi32> to vector<2048xi32>
    %broadcast_in_dim3A_194 = vector.shape_cast %reduce_min3A_193 : vector<2048xi32> to vector<2048x1xi32>
    %eq3A_195 = vector.broadcast %broadcast_in_dim3A_194 : vector<2048x1xi32> to vector<2048x32xi32>
    %eq3A_196 = arith.cmpi eq, %eq3A_195, %iota3A : vector<2048x32xi32>
    %convert_element_type3A_197 = arith.extui %eq3A_196 : vector<2048x32xi1> to vector<2048x32xi32>
    %convert_element_type3A_198 = arith.sitofp %convert_element_type3A_197 : vector<2048x32xi32> to vector<2048x32xf32>
    %concatenate3A_199 = tpu.concatenate %convert_element_type3A_44, %convert_element_type3A_66, %convert_element_type3A_88, %convert_element_type3A_110, %convert_element_type3A_132, %convert_element_type3A_154, %convert_element_type3A_176, %convert_element_type3A_198 in 1 : vector<2048x32xf32>, vector<2048x32xf32>, vector<2048x32xf32>, vector<2048x32xf32>, vector<2048x32xf32>, vector<2048x32xf32>, vector<2048x32xf32>, vector<2048x32xf32> -> vector<2048x256xf32>
    %iota3A_200 = tpu.iota {dimensions = array<i32: 0>} : vector<256x256xi32>
    %iota3A_201 = tpu.iota {dimensions = array<i32: 1>} : vector<256x256xi32>
    %ge3A = arith.cmpi sge, %iota3A_200, %iota3A_201 : vector<256x256xi32>
    %convert_element_type3A_202 = arith.extui %ge3A : vector<256x256xi1> to vector<256x256xi32>
    %convert_element_type3A_203 = arith.sitofp %convert_element_type3A_202 : vector<256x256xi32> to vector<256x256xf32>
    %iota3A_204 = tpu.iota {dimensions = array<i32: 0>} : vector<8x8xi32>
    %iota3A_205 = tpu.iota {dimensions = array<i32: 1>} : vector<8x8xi32>
    %gt3A = arith.cmpi sgt, %iota3A_204, %iota3A_205 : vector<8x8xi32>
    %convert_element_type3A_206 = arith.extui %gt3A : vector<8x8xi1> to vector<8x8xi32>
    %convert_element_type3A_207 = arith.sitofp %convert_element_type3A_206 : vector<8x8xi32> to vector<8x8xf32>
    %slice3A_208 = vector.extract_strided_slice %concatenate3A_199 {offsets = [0, 0], sizes = [256, 256], strides = [1, 1]} : vector<2048x256xf32> to vector<256x256xf32>
    %dot_general3A_209 = arith.constant dense<0.000000e+00> : vector<256x256xf32>
    %dot_general3A_210 = tpu.matmul %convert_element_type3A_203, %slice3A_208, %dot_general3A_209 {dimension_numbers = #tpu.dot_dimension_numbers<[1], [0], [0], [1], [0, 0, 1, 1], [], []>, transpose_lhs_hint = false} : vector<256x256xf32>, vector<256x256xf32>, vector<256x256xf32> -> vector<256x256xf32>
    %slice3A_211 = vector.extract_strided_slice %concatenate3A_199 {offsets = [256, 0], sizes = [256, 256], strides = [1, 1]} : vector<2048x256xf32> to vector<256x256xf32>
    %dot_general3A_212 = arith.constant dense<0.000000e+00> : vector<256x256xf32>
    %dot_general3A_213 = tpu.matmul %convert_element_type3A_203, %slice3A_211, %dot_general3A_212 {dimension_numbers = #tpu.dot_dimension_numbers<[1], [0], [0], [1], [0, 0, 1, 1], [], []>, transpose_lhs_hint = false} : vector<256x256xf32>, vector<256x256xf32>, vector<256x256xf32> -> vector<256x256xf32>
    %slice3A_214 = vector.extract_strided_slice %concatenate3A_199 {offsets = [512, 0], sizes = [256, 256], strides = [1, 1]} : vector<2048x256xf32> to vector<256x256xf32>
    %dot_general3A_215 = arith.constant dense<0.000000e+00> : vector<256x256xf32>
    %dot_general3A_216 = tpu.matmul %convert_element_type3A_203, %slice3A_214, %dot_general3A_215 {dimension_numbers = #tpu.dot_dimension_numbers<[1], [0], [0], [1], [0, 0, 1, 1], [], []>, transpose_lhs_hint = false} : vector<256x256xf32>, vector<256x256xf32>, vector<256x256xf32> -> vector<256x256xf32>
    %slice3A_217 = vector.extract_strided_slice %concatenate3A_199 {offsets = [768, 0], sizes = [256, 256], strides = [1, 1]} : vector<2048x256xf32> to vector<256x256xf32>
    %dot_general3A_218 = arith.constant dense<0.000000e+00> : vector<256x256xf32>
    %dot_general3A_219 = tpu.matmul %convert_element_type3A_203, %slice3A_217, %dot_general3A_218 {dimension_numbers = #tpu.dot_dimension_numbers<[1], [0], [0], [1], [0, 0, 1, 1], [], []>, transpose_lhs_hint = false} : vector<256x256xf32>, vector<256x256xf32>, vector<256x256xf32> -> vector<256x256xf32>
    %slice3A_220 = vector.extract_strided_slice %concatenate3A_199 {offsets = [1024, 0], sizes = [256, 256], strides = [1, 1]} : vector<2048x256xf32> to vector<256x256xf32>
    %dot_general3A_221 = arith.constant dense<0.000000e+00> : vector<256x256xf32>
    %dot_general3A_222 = tpu.matmul %convert_element_type3A_203, %slice3A_220, %dot_general3A_221 {dimension_numbers = #tpu.dot_dimension_numbers<[1], [0], [0], [1], [0, 0, 1, 1], [], []>, transpose_lhs_hint = false} : vector<256x256xf32>, vector<256x256xf32>, vector<256x256xf32> -> vector<256x256xf32>
    %slice3A_223 = vector.extract_strided_slice %concatenate3A_199 {offsets = [1280, 0], sizes = [256, 256], strides = [1, 1]} : vector<2048x256xf32> to vector<256x256xf32>
    %dot_general3A_224 = arith.constant dense<0.000000e+00> : vector<256x256xf32>
    %dot_general3A_225 = tpu.matmul %convert_element_type3A_203, %slice3A_223, %dot_general3A_224 {dimension_numbers = #tpu.dot_dimension_numbers<[1], [0], [0], [1], [0, 0, 1, 1], [], []>, transpose_lhs_hint = false} : vector<256x256xf32>, vector<256x256xf32>, vector<256x256xf32> -> vector<256x256xf32>
    %slice3A_226 = vector.extract_strided_slice %concatenate3A_199 {offsets = [1536, 0], sizes = [256, 256], strides = [1, 1]} : vector<2048x256xf32> to vector<256x256xf32>
    %dot_general3A_227 = arith.constant dense<0.000000e+00> : vector<256x256xf32>
    %dot_general3A_228 = tpu.matmul %convert_element_type3A_203, %slice3A_226, %dot_general3A_227 {dimension_numbers = #tpu.dot_dimension_numbers<[1], [0], [0], [1], [0, 0, 1, 1], [], []>, transpose_lhs_hint = false} : vector<256x256xf32>, vector<256x256xf32>, vector<256x256xf32> -> vector<256x256xf32>
    %slice3A_229 = vector.extract_strided_slice %concatenate3A_199 {offsets = [1792, 0], sizes = [256, 256], strides = [1, 1]} : vector<2048x256xf32> to vector<256x256xf32>
    %dot_general3A_230 = arith.constant dense<0.000000e+00> : vector<256x256xf32>
    %dot_general3A_231 = tpu.matmul %convert_element_type3A_203, %slice3A_229, %dot_general3A_230 {dimension_numbers = #tpu.dot_dimension_numbers<[1], [0], [0], [1], [0, 0, 1, 1], [], []>, transpose_lhs_hint = false} : vector<256x256xf32>, vector<256x256xf32>, vector<256x256xf32> -> vector<256x256xf32>
    %slice3A_232 = vector.extract_strided_slice %dot_general3A_210 {offsets = [255, 0], sizes = [1, 256], strides = [1, 1]} : vector<256x256xf32> to vector<1x256xf32>
    %slice3A_233 = vector.extract_strided_slice %dot_general3A_213 {offsets = [255, 0], sizes = [1, 256], strides = [1, 1]} : vector<256x256xf32> to vector<1x256xf32>
    %slice3A_234 = vector.extract_strided_slice %dot_general3A_216 {offsets = [255, 0], sizes = [1, 256], strides = [1, 1]} : vector<256x256xf32> to vector<1x256xf32>
    %slice3A_235 = vector.extract_strided_slice %dot_general3A_219 {offsets = [255, 0], sizes = [1, 256], strides = [1, 1]} : vector<256x256xf32> to vector<1x256xf32>
    %slice3A_236 = vector.extract_strided_slice %dot_general3A_222 {offsets = [255, 0], sizes = [1, 256], strides = [1, 1]} : vector<256x256xf32> to vector<1x256xf32>
    %slice3A_237 = vector.extract_strided_slice %dot_general3A_225 {offsets = [255, 0], sizes = [1, 256], strides = [1, 1]} : vector<256x256xf32> to vector<1x256xf32>
    %slice3A_238 = vector.extract_strided_slice %dot_general3A_228 {offsets = [255, 0], sizes = [1, 256], strides = [1, 1]} : vector<256x256xf32> to vector<1x256xf32>
    %slice3A_239 = vector.extract_strided_slice %dot_general3A_231 {offsets = [255, 0], sizes = [1, 256], strides = [1, 1]} : vector<256x256xf32> to vector<1x256xf32>
    %concatenate3A_240 = tpu.concatenate %slice3A_232, %slice3A_233, %slice3A_234, %slice3A_235, %slice3A_236, %slice3A_237, %slice3A_238, %slice3A_239 in 0 : vector<1x256xf32>, vector<1x256xf32>, vector<1x256xf32>, vector<1x256xf32>, vector<1x256xf32>, vector<1x256xf32>, vector<1x256xf32>, vector<1x256xf32> -> vector<8x256xf32>
    %dot_general3A_241 = arith.constant dense<0.000000e+00> : vector<8x256xf32>
    %dot_general3A_242 = tpu.matmul %convert_element_type3A_207, %concatenate3A_240, %dot_general3A_241 {dimension_numbers = #tpu.dot_dimension_numbers<[1], [0], [0], [1], [0, 0, 1, 1], [], []>, precision = #tpu.contract_precision<fp32>, transpose_lhs_hint = false} : vector<8x8xf32>, vector<8x256xf32>, vector<8x256xf32> -> vector<8x256xf32>
    %slice3A_243 = vector.extract_strided_slice %dot_general3A_242 {offsets = [0, 0], sizes = [1, 256], strides = [1, 1]} : vector<8x256xf32> to vector<1x256xf32>
    %add3A = vector.broadcast %slice3A_243 : vector<1x256xf32> to vector<256x256xf32>
    %add3A_244 = arith.addf %dot_general3A_210, %add3A : vector<256x256xf32>
    %slice3A_245 = vector.extract_strided_slice %dot_general3A_242 {offsets = [1, 0], sizes = [1, 256], strides = [1, 1]} : vector<8x256xf32> to vector<1x256xf32>
    %add3A_246 = vector.broadcast %slice3A_245 : vector<1x256xf32> to vector<256x256xf32>
    %add3A_247 = arith.addf %dot_general3A_213, %add3A_246 : vector<256x256xf32>
    %slice3A_248 = vector.extract_strided_slice %dot_general3A_242 {offsets = [2, 0], sizes = [1, 256], strides = [1, 1]} : vector<8x256xf32> to vector<1x256xf32>
    %add3A_249 = vector.broadcast %slice3A_248 : vector<1x256xf32> to vector<256x256xf32>
    %add3A_250 = arith.addf %dot_general3A_216, %add3A_249 : vector<256x256xf32>
    %slice3A_251 = vector.extract_strided_slice %dot_general3A_242 {offsets = [3, 0], sizes = [1, 256], strides = [1, 1]} : vector<8x256xf32> to vector<1x256xf32>
    %add3A_252 = vector.broadcast %slice3A_251 : vector<1x256xf32> to vector<256x256xf32>
    %add3A_253 = arith.addf %dot_general3A_219, %add3A_252 : vector<256x256xf32>
    %slice3A_254 = vector.extract_strided_slice %dot_general3A_242 {offsets = [4, 0], sizes = [1, 256], strides = [1, 1]} : vector<8x256xf32> to vector<1x256xf32>
    %add3A_255 = vector.broadcast %slice3A_254 : vector<1x256xf32> to vector<256x256xf32>
    %add3A_256 = arith.addf %dot_general3A_222, %add3A_255 : vector<256x256xf32>
    %slice3A_257 = vector.extract_strided_slice %dot_general3A_242 {offsets = [5, 0], sizes = [1, 256], strides = [1, 1]} : vector<8x256xf32> to vector<1x256xf32>
    %add3A_258 = vector.broadcast %slice3A_257 : vector<1x256xf32> to vector<256x256xf32>
    %add3A_259 = arith.addf %dot_general3A_225, %add3A_258 : vector<256x256xf32>
    %slice3A_260 = vector.extract_strided_slice %dot_general3A_242 {offsets = [6, 0], sizes = [1, 256], strides = [1, 1]} : vector<8x256xf32> to vector<1x256xf32>
    %add3A_261 = vector.broadcast %slice3A_260 : vector<1x256xf32> to vector<256x256xf32>
    %add3A_262 = arith.addf %dot_general3A_228, %add3A_261 : vector<256x256xf32>
    %slice3A_263 = vector.extract_strided_slice %dot_general3A_242 {offsets = [7, 0], sizes = [1, 256], strides = [1, 1]} : vector<8x256xf32> to vector<1x256xf32>
    %add3A_264 = vector.broadcast %slice3A_263 : vector<1x256xf32> to vector<256x256xf32>
    %add3A_265 = arith.addf %dot_general3A_231, %add3A_264 : vector<256x256xf32>
    %concatenate3A_266 = tpu.concatenate %add3A_244, %add3A_247, %add3A_250, %add3A_253, %add3A_256, %add3A_259, %add3A_262, %add3A_265 in 0 : vector<256x256xf32>, vector<256x256xf32>, vector<256x256xf32>, vector<256x256xf32>, vector<256x256xf32>, vector<256x256xf32>, vector<256x256xf32>, vector<256x256xf32> -> vector<2048x256xf32>
    %sub3A = arith.subf %concatenate3A_266, %concatenate3A_199 : vector<2048x256xf32>
    %reduce_sum3A = arith.constant dense<0.000000e+00> : vector<256xf32>
    %reduce_sum3A_267 = vector.multi_reduction <add>, %concatenate3A_199, %reduce_sum3A [0] : vector<2048x256xf32> to vector<256xf32>
    %broadcast_in_dim3A_268 = vector.shape_cast %reduce_sum3A_267 : vector<256xf32> to vector<1x256xf32>
    %slice3A_269 = vector.extract_strided_slice %sub3A {offsets = [0, 0], sizes = [2048, 32], strides = [1, 1]} : vector<2048x256xf32> to vector<2048x32xf32>
    %slice3A_270 = vector.extract_strided_slice %broadcast_in_dim3A_268 {offsets = [0, 0], sizes = [1, 32], strides = [1, 1]} : vector<1x256xf32> to vector<1x32xf32>
    %dot_general3A_271 = arith.constant dense<0.000000e+00> : vector<1x32xf32>
    %dot_general3A_272 = tpu.matmul %slice3A_270, %convert_element_type3A_19, %dot_general3A_271 {dimension_numbers = #tpu.dot_dimension_numbers<[1], [0], [0], [1], [0, 0, 1, 1], [], []>, precision = #tpu.contract_precision<fp32>, transpose_lhs_hint = false} : vector<1x32xf32>, vector<32x32xf32>, vector<1x32xf32> -> vector<1x32xf32>
    %add3A_273 = vector.broadcast %dot_general3A_272 : vector<1x32xf32> to vector<2048x32xf32>
    %add3A_274 = arith.addf %slice3A_269, %add3A_273 : vector<2048x32xf32>
    %mul3A = arith.mulf %convert_element_type3A_44, %add3A_274 : vector<2048x32xf32>
    %reduce_sum3A_275 = arith.constant dense<0.000000e+00> : vector<2048xf32>
    %reduce_sum3A_276 = vector.multi_reduction <add>, %mul3A, %reduce_sum3A_275 [1] : vector<2048x32xf32> to vector<2048xf32>
    %broadcast_in_dim3A_277 = vector.shape_cast %reduce_sum3A_276 : vector<2048xf32> to vector<2048x1xf32>
    %convert_element_type3A_278 = arith.fptosi %broadcast_in_dim3A_277 : vector<2048x1xf32> to vector<2048x1xi32>
    %shift_right_arithmetic3A = arith.constant 8 : i32
    %shift_right_arithmetic3A_279 = vector.broadcast %shift_right_arithmetic3A : i32 to vector<2048x1xi32>
    %shift_right_arithmetic3A_280 = arith.shrsi %convert_element_type3A_278, %shift_right_arithmetic3A_279 : vector<2048x1xi32>
    %convert_element_type3A_281 = arith.sitofp %shift_right_arithmetic3A_280 : vector<2048x1xi32> to vector<2048x1xf32>
    %and3A = arith.constant 255 : i32
    %and3A_282 = vector.broadcast %and3A : i32 to vector<2048x1xi32>
    %and3A_283 = arith.andi %convert_element_type3A_278, %and3A_282 : vector<2048x1xi32>
    %convert_element_type3A_284 = arith.sitofp %and3A_283 : vector<2048x1xi32> to vector<2048x1xf32>
    %eq3A_285 = vector.broadcast %convert_element_type3A_278 : vector<2048x1xi32> to vector<2048x64xi32>
    %eq3A_286 = arith.cmpi eq, %eq3A_285, %iota3A_30 : vector<2048x64xi32>
    %convert_element_type3A_287 = arith.extui %eq3A_286 : vector<2048x64xi1> to vector<2048x64xi32>
    %add3A_288 = arith.constant 1984 : i32
    %add3A_289 = vector.broadcast %add3A_288 : i32 to vector<2048x64xi32>
    %add3A_290 = arith.addi %iota3A_30, %add3A_289 : vector<2048x64xi32>
    %eq3A_291 = vector.broadcast %convert_element_type3A_278 : vector<2048x1xi32> to vector<2048x64xi32>
    %eq3A_292 = arith.cmpi eq, %eq3A_291, %add3A_290 : vector<2048x64xi32>
    %convert_element_type3A_293 = arith.extui %eq3A_292 : vector<2048x64xi1> to vector<2048x64xi32>
    %concatenate3A_294 = tpu.concatenate %convert_element_type3A_287, %convert_element_type3A_293 in 1 : vector<2048x64xi32>, vector<2048x64xi32> -> vector<2048x128xi32>
    %mul3A_295 = vector.broadcast %iota3A_29 : vector<2048x1xi32> to vector<2048x128xi32>
    %mul3A_296 = arith.muli %concatenate3A_294, %mul3A_295 : vector<2048x128xi32>
    %reduce_sum3A_297 = arith.constant dense<0> : vector<128xi32>
    %reduce_sum3A_298 = vector.multi_reduction <add>, %mul3A_296, %reduce_sum3A_297 [0] : vector<2048x128xi32> to vector<128xi32>
    %broadcast_in_dim3A_299 = vector.shape_cast %reduce_sum3A_298 : vector<128xi32> to vector<1x128xi32>
    %slice3A_300 = vector.extract_strided_slice %sub3A {offsets = [0, 32], sizes = [2048, 32], strides = [1, 1]} : vector<2048x256xf32> to vector<2048x32xf32>
    %slice3A_301 = vector.extract_strided_slice %broadcast_in_dim3A_268 {offsets = [0, 32], sizes = [1, 32], strides = [1, 1]} : vector<1x256xf32> to vector<1x32xf32>
    %dot_general3A_302 = arith.constant dense<0.000000e+00> : vector<1x32xf32>
    %dot_general3A_303 = tpu.matmul %slice3A_301, %convert_element_type3A_19, %dot_general3A_302 {dimension_numbers = #tpu.dot_dimension_numbers<[1], [0], [0], [1], [0, 0, 1, 1], [], []>, precision = #tpu.contract_precision<fp32>, transpose_lhs_hint = false} : vector<1x32xf32>, vector<32x32xf32>, vector<1x32xf32> -> vector<1x32xf32>
    %add3A_304 = vector.broadcast %dot_general3A_303 : vector<1x32xf32> to vector<2048x32xf32>
    %add3A_305 = arith.addf %slice3A_300, %add3A_304 : vector<2048x32xf32>
    %mul3A_306 = arith.mulf %convert_element_type3A_66, %add3A_305 : vector<2048x32xf32>
    %reduce_sum3A_307 = arith.constant dense<0.000000e+00> : vector<2048xf32>
    %reduce_sum3A_308 = vector.multi_reduction <add>, %mul3A_306, %reduce_sum3A_307 [1] : vector<2048x32xf32> to vector<2048xf32>
    %broadcast_in_dim3A_309 = vector.shape_cast %reduce_sum3A_308 : vector<2048xf32> to vector<2048x1xf32>
    %convert_element_type3A_310 = arith.fptosi %broadcast_in_dim3A_309 : vector<2048x1xf32> to vector<2048x1xi32>
    %shift_right_arithmetic3A_311 = arith.constant 8 : i32
    %shift_right_arithmetic3A_312 = vector.broadcast %shift_right_arithmetic3A_311 : i32 to vector<2048x1xi32>
    %shift_right_arithmetic3A_313 = arith.shrsi %convert_element_type3A_310, %shift_right_arithmetic3A_312 : vector<2048x1xi32>
    %convert_element_type3A_314 = arith.sitofp %shift_right_arithmetic3A_313 : vector<2048x1xi32> to vector<2048x1xf32>
    %and3A_315 = arith.constant 255 : i32
    %and3A_316 = vector.broadcast %and3A_315 : i32 to vector<2048x1xi32>
    %and3A_317 = arith.andi %convert_element_type3A_310, %and3A_316 : vector<2048x1xi32>
    %convert_element_type3A_318 = arith.sitofp %and3A_317 : vector<2048x1xi32> to vector<2048x1xf32>
    %eq3A_319 = vector.broadcast %convert_element_type3A_310 : vector<2048x1xi32> to vector<2048x64xi32>
    %eq3A_320 = arith.cmpi eq, %eq3A_319, %iota3A_30 : vector<2048x64xi32>
    %convert_element_type3A_321 = arith.extui %eq3A_320 : vector<2048x64xi1> to vector<2048x64xi32>
    %add3A_322 = arith.constant 1984 : i32
    %add3A_323 = vector.broadcast %add3A_322 : i32 to vector<2048x64xi32>
    %add3A_324 = arith.addi %iota3A_30, %add3A_323 : vector<2048x64xi32>
    %eq3A_325 = vector.broadcast %convert_element_type3A_310 : vector<2048x1xi32> to vector<2048x64xi32>
    %eq3A_326 = arith.cmpi eq, %eq3A_325, %add3A_324 : vector<2048x64xi32>
    %convert_element_type3A_327 = arith.extui %eq3A_326 : vector<2048x64xi1> to vector<2048x64xi32>
    %concatenate3A_328 = tpu.concatenate %convert_element_type3A_321, %convert_element_type3A_327 in 1 : vector<2048x64xi32>, vector<2048x64xi32> -> vector<2048x128xi32>
    %mul3A_329 = vector.broadcast %iota3A_29 : vector<2048x1xi32> to vector<2048x128xi32>
    %mul3A_330 = arith.muli %concatenate3A_328, %mul3A_329 : vector<2048x128xi32>
    %reduce_sum3A_331 = arith.constant dense<0> : vector<128xi32>
    %reduce_sum3A_332 = vector.multi_reduction <add>, %mul3A_330, %reduce_sum3A_331 [0] : vector<2048x128xi32> to vector<128xi32>
    %broadcast_in_dim3A_333 = vector.shape_cast %reduce_sum3A_332 : vector<128xi32> to vector<1x128xi32>
    %slice3A_334 = vector.extract_strided_slice %sub3A {offsets = [0, 64], sizes = [2048, 32], strides = [1, 1]} : vector<2048x256xf32> to vector<2048x32xf32>
    %slice3A_335 = vector.extract_strided_slice %broadcast_in_dim3A_268 {offsets = [0, 64], sizes = [1, 32], strides = [1, 1]} : vector<1x256xf32> to vector<1x32xf32>
    %dot_general3A_336 = arith.constant dense<0.000000e+00> : vector<1x32xf32>
    %dot_general3A_337 = tpu.matmul %slice3A_335, %convert_element_type3A_19, %dot_general3A_336 {dimension_numbers = #tpu.dot_dimension_numbers<[1], [0], [0], [1], [0, 0, 1, 1], [], []>, precision = #tpu.contract_precision<fp32>, transpose_lhs_hint = false} : vector<1x32xf32>, vector<32x32xf32>, vector<1x32xf32> -> vector<1x32xf32>
    %add3A_338 = vector.broadcast %dot_general3A_337 : vector<1x32xf32> to vector<2048x32xf32>
    %add3A_339 = arith.addf %slice3A_334, %add3A_338 : vector<2048x32xf32>
    %mul3A_340 = arith.mulf %convert_element_type3A_88, %add3A_339 : vector<2048x32xf32>
    %reduce_sum3A_341 = arith.constant dense<0.000000e+00> : vector<2048xf32>
    %reduce_sum3A_342 = vector.multi_reduction <add>, %mul3A_340, %reduce_sum3A_341 [1] : vector<2048x32xf32> to vector<2048xf32>
    %broadcast_in_dim3A_343 = vector.shape_cast %reduce_sum3A_342 : vector<2048xf32> to vector<2048x1xf32>
    %convert_element_type3A_344 = arith.fptosi %broadcast_in_dim3A_343 : vector<2048x1xf32> to vector<2048x1xi32>
    %shift_right_arithmetic3A_345 = arith.constant 8 : i32
    %shift_right_arithmetic3A_346 = vector.broadcast %shift_right_arithmetic3A_345 : i32 to vector<2048x1xi32>
    %shift_right_arithmetic3A_347 = arith.shrsi %convert_element_type3A_344, %shift_right_arithmetic3A_346 : vector<2048x1xi32>
    %convert_element_type3A_348 = arith.sitofp %shift_right_arithmetic3A_347 : vector<2048x1xi32> to vector<2048x1xf32>
    %and3A_349 = arith.constant 255 : i32
    %and3A_350 = vector.broadcast %and3A_349 : i32 to vector<2048x1xi32>
    %and3A_351 = arith.andi %convert_element_type3A_344, %and3A_350 : vector<2048x1xi32>
    %convert_element_type3A_352 = arith.sitofp %and3A_351 : vector<2048x1xi32> to vector<2048x1xf32>
    %eq3A_353 = vector.broadcast %convert_element_type3A_344 : vector<2048x1xi32> to vector<2048x64xi32>
    %eq3A_354 = arith.cmpi eq, %eq3A_353, %iota3A_30 : vector<2048x64xi32>
    %convert_element_type3A_355 = arith.extui %eq3A_354 : vector<2048x64xi1> to vector<2048x64xi32>
    %add3A_356 = arith.constant 1984 : i32
    %add3A_357 = vector.broadcast %add3A_356 : i32 to vector<2048x64xi32>
    %add3A_358 = arith.addi %iota3A_30, %add3A_357 : vector<2048x64xi32>
    %eq3A_359 = vector.broadcast %convert_element_type3A_344 : vector<2048x1xi32> to vector<2048x64xi32>
    %eq3A_360 = arith.cmpi eq, %eq3A_359, %add3A_358 : vector<2048x64xi32>
    %convert_element_type3A_361 = arith.extui %eq3A_360 : vector<2048x64xi1> to vector<2048x64xi32>
    %concatenate3A_362 = tpu.concatenate %convert_element_type3A_355, %convert_element_type3A_361 in 1 : vector<2048x64xi32>, vector<2048x64xi32> -> vector<2048x128xi32>
    %mul3A_363 = vector.broadcast %iota3A_29 : vector<2048x1xi32> to vector<2048x128xi32>
    %mul3A_364 = arith.muli %concatenate3A_362, %mul3A_363 : vector<2048x128xi32>
    %reduce_sum3A_365 = arith.constant dense<0> : vector<128xi32>
    %reduce_sum3A_366 = vector.multi_reduction <add>, %mul3A_364, %reduce_sum3A_365 [0] : vector<2048x128xi32> to vector<128xi32>
    %broadcast_in_dim3A_367 = vector.shape_cast %reduce_sum3A_366 : vector<128xi32> to vector<1x128xi32>
    %slice3A_368 = vector.extract_strided_slice %sub3A {offsets = [0, 96], sizes = [2048, 32], strides = [1, 1]} : vector<2048x256xf32> to vector<2048x32xf32>
    %slice3A_369 = vector.extract_strided_slice %broadcast_in_dim3A_268 {offsets = [0, 96], sizes = [1, 32], strides = [1, 1]} : vector<1x256xf32> to vector<1x32xf32>
    %dot_general3A_370 = arith.constant dense<0.000000e+00> : vector<1x32xf32>
    %dot_general3A_371 = tpu.matmul %slice3A_369, %convert_element_type3A_19, %dot_general3A_370 {dimension_numbers = #tpu.dot_dimension_numbers<[1], [0], [0], [1], [0, 0, 1, 1], [], []>, precision = #tpu.contract_precision<fp32>, transpose_lhs_hint = false} : vector<1x32xf32>, vector<32x32xf32>, vector<1x32xf32> -> vector<1x32xf32>
    %add3A_372 = vector.broadcast %dot_general3A_371 : vector<1x32xf32> to vector<2048x32xf32>
    %add3A_373 = arith.addf %slice3A_368, %add3A_372 : vector<2048x32xf32>
    %mul3A_374 = arith.mulf %convert_element_type3A_110, %add3A_373 : vector<2048x32xf32>
    %reduce_sum3A_375 = arith.constant dense<0.000000e+00> : vector<2048xf32>
    %reduce_sum3A_376 = vector.multi_reduction <add>, %mul3A_374, %reduce_sum3A_375 [1] : vector<2048x32xf32> to vector<2048xf32>
    %broadcast_in_dim3A_377 = vector.shape_cast %reduce_sum3A_376 : vector<2048xf32> to vector<2048x1xf32>
    %convert_element_type3A_378 = arith.fptosi %broadcast_in_dim3A_377 : vector<2048x1xf32> to vector<2048x1xi32>
    %shift_right_arithmetic3A_379 = arith.constant 8 : i32
    %shift_right_arithmetic3A_380 = vector.broadcast %shift_right_arithmetic3A_379 : i32 to vector<2048x1xi32>
    %shift_right_arithmetic3A_381 = arith.shrsi %convert_element_type3A_378, %shift_right_arithmetic3A_380 : vector<2048x1xi32>
    %convert_element_type3A_382 = arith.sitofp %shift_right_arithmetic3A_381 : vector<2048x1xi32> to vector<2048x1xf32>
    %and3A_383 = arith.constant 255 : i32
    %and3A_384 = vector.broadcast %and3A_383 : i32 to vector<2048x1xi32>
    %and3A_385 = arith.andi %convert_element_type3A_378, %and3A_384 : vector<2048x1xi32>
    %convert_element_type3A_386 = arith.sitofp %and3A_385 : vector<2048x1xi32> to vector<2048x1xf32>
    %eq3A_387 = vector.broadcast %convert_element_type3A_378 : vector<2048x1xi32> to vector<2048x64xi32>
    %eq3A_388 = arith.cmpi eq, %eq3A_387, %iota3A_30 : vector<2048x64xi32>
    %convert_element_type3A_389 = arith.extui %eq3A_388 : vector<2048x64xi1> to vector<2048x64xi32>
    %add3A_390 = arith.constant 1984 : i32
    %add3A_391 = vector.broadcast %add3A_390 : i32 to vector<2048x64xi32>
    %add3A_392 = arith.addi %iota3A_30, %add3A_391 : vector<2048x64xi32>
    %eq3A_393 = vector.broadcast %convert_element_type3A_378 : vector<2048x1xi32> to vector<2048x64xi32>
    %eq3A_394 = arith.cmpi eq, %eq3A_393, %add3A_392 : vector<2048x64xi32>
    %convert_element_type3A_395 = arith.extui %eq3A_394 : vector<2048x64xi1> to vector<2048x64xi32>
    %concatenate3A_396 = tpu.concatenate %convert_element_type3A_389, %convert_element_type3A_395 in 1 : vector<2048x64xi32>, vector<2048x64xi32> -> vector<2048x128xi32>
    %mul3A_397 = vector.broadcast %iota3A_29 : vector<2048x1xi32> to vector<2048x128xi32>
    %mul3A_398 = arith.muli %concatenate3A_396, %mul3A_397 : vector<2048x128xi32>
    %reduce_sum3A_399 = arith.constant dense<0> : vector<128xi32>
    %reduce_sum3A_400 = vector.multi_reduction <add>, %mul3A_398, %reduce_sum3A_399 [0] : vector<2048x128xi32> to vector<128xi32>
    %broadcast_in_dim3A_401 = vector.shape_cast %reduce_sum3A_400 : vector<128xi32> to vector<1x128xi32>
    %slice3A_402 = vector.extract_strided_slice %sub3A {offsets = [0, 128], sizes = [2048, 32], strides = [1, 1]} : vector<2048x256xf32> to vector<2048x32xf32>
    %slice3A_403 = vector.extract_strided_slice %broadcast_in_dim3A_268 {offsets = [0, 128], sizes = [1, 32], strides = [1, 1]} : vector<1x256xf32> to vector<1x32xf32>
    %dot_general3A_404 = arith.constant dense<0.000000e+00> : vector<1x32xf32>
    %dot_general3A_405 = tpu.matmul %slice3A_403, %convert_element_type3A_19, %dot_general3A_404 {dimension_numbers = #tpu.dot_dimension_numbers<[1], [0], [0], [1], [0, 0, 1, 1], [], []>, precision = #tpu.contract_precision<fp32>, transpose_lhs_hint = false} : vector<1x32xf32>, vector<32x32xf32>, vector<1x32xf32> -> vector<1x32xf32>
    %add3A_406 = vector.broadcast %dot_general3A_405 : vector<1x32xf32> to vector<2048x32xf32>
    %add3A_407 = arith.addf %slice3A_402, %add3A_406 : vector<2048x32xf32>
    %mul3A_408 = arith.mulf %convert_element_type3A_132, %add3A_407 : vector<2048x32xf32>
    %reduce_sum3A_409 = arith.constant dense<0.000000e+00> : vector<2048xf32>
    %reduce_sum3A_410 = vector.multi_reduction <add>, %mul3A_408, %reduce_sum3A_409 [1] : vector<2048x32xf32> to vector<2048xf32>
    %broadcast_in_dim3A_411 = vector.shape_cast %reduce_sum3A_410 : vector<2048xf32> to vector<2048x1xf32>
    %convert_element_type3A_412 = arith.fptosi %broadcast_in_dim3A_411 : vector<2048x1xf32> to vector<2048x1xi32>
    %shift_right_arithmetic3A_413 = arith.constant 8 : i32
    %shift_right_arithmetic3A_414 = vector.broadcast %shift_right_arithmetic3A_413 : i32 to vector<2048x1xi32>
    %shift_right_arithmetic3A_415 = arith.shrsi %convert_element_type3A_412, %shift_right_arithmetic3A_414 : vector<2048x1xi32>
    %convert_element_type3A_416 = arith.sitofp %shift_right_arithmetic3A_415 : vector<2048x1xi32> to vector<2048x1xf32>
    %and3A_417 = arith.constant 255 : i32
    %and3A_418 = vector.broadcast %and3A_417 : i32 to vector<2048x1xi32>
    %and3A_419 = arith.andi %convert_element_type3A_412, %and3A_418 : vector<2048x1xi32>
    %convert_element_type3A_420 = arith.sitofp %and3A_419 : vector<2048x1xi32> to vector<2048x1xf32>
    %eq3A_421 = vector.broadcast %convert_element_type3A_412 : vector<2048x1xi32> to vector<2048x64xi32>
    %eq3A_422 = arith.cmpi eq, %eq3A_421, %iota3A_30 : vector<2048x64xi32>
    %convert_element_type3A_423 = arith.extui %eq3A_422 : vector<2048x64xi1> to vector<2048x64xi32>
    %add3A_424 = arith.constant 1984 : i32
    %add3A_425 = vector.broadcast %add3A_424 : i32 to vector<2048x64xi32>
    %add3A_426 = arith.addi %iota3A_30, %add3A_425 : vector<2048x64xi32>
    %eq3A_427 = vector.broadcast %convert_element_type3A_412 : vector<2048x1xi32> to vector<2048x64xi32>
    %eq3A_428 = arith.cmpi eq, %eq3A_427, %add3A_426 : vector<2048x64xi32>
    %convert_element_type3A_429 = arith.extui %eq3A_428 : vector<2048x64xi1> to vector<2048x64xi32>
    %concatenate3A_430 = tpu.concatenate %convert_element_type3A_423, %convert_element_type3A_429 in 1 : vector<2048x64xi32>, vector<2048x64xi32> -> vector<2048x128xi32>
    %mul3A_431 = vector.broadcast %iota3A_29 : vector<2048x1xi32> to vector<2048x128xi32>
    %mul3A_432 = arith.muli %concatenate3A_430, %mul3A_431 : vector<2048x128xi32>
    %reduce_sum3A_433 = arith.constant dense<0> : vector<128xi32>
    %reduce_sum3A_434 = vector.multi_reduction <add>, %mul3A_432, %reduce_sum3A_433 [0] : vector<2048x128xi32> to vector<128xi32>
    %broadcast_in_dim3A_435 = vector.shape_cast %reduce_sum3A_434 : vector<128xi32> to vector<1x128xi32>
    %slice3A_436 = vector.extract_strided_slice %sub3A {offsets = [0, 160], sizes = [2048, 32], strides = [1, 1]} : vector<2048x256xf32> to vector<2048x32xf32>
    %slice3A_437 = vector.extract_strided_slice %broadcast_in_dim3A_268 {offsets = [0, 160], sizes = [1, 32], strides = [1, 1]} : vector<1x256xf32> to vector<1x32xf32>
    %dot_general3A_438 = arith.constant dense<0.000000e+00> : vector<1x32xf32>
    %dot_general3A_439 = tpu.matmul %slice3A_437, %convert_element_type3A_19, %dot_general3A_438 {dimension_numbers = #tpu.dot_dimension_numbers<[1], [0], [0], [1], [0, 0, 1, 1], [], []>, precision = #tpu.contract_precision<fp32>, transpose_lhs_hint = false} : vector<1x32xf32>, vector<32x32xf32>, vector<1x32xf32> -> vector<1x32xf32>
    %add3A_440 = vector.broadcast %dot_general3A_439 : vector<1x32xf32> to vector<2048x32xf32>
    %add3A_441 = arith.addf %slice3A_436, %add3A_440 : vector<2048x32xf32>
    %mul3A_442 = arith.mulf %convert_element_type3A_154, %add3A_441 : vector<2048x32xf32>
    %reduce_sum3A_443 = arith.constant dense<0.000000e+00> : vector<2048xf32>
    %reduce_sum3A_444 = vector.multi_reduction <add>, %mul3A_442, %reduce_sum3A_443 [1] : vector<2048x32xf32> to vector<2048xf32>
    %broadcast_in_dim3A_445 = vector.shape_cast %reduce_sum3A_444 : vector<2048xf32> to vector<2048x1xf32>
    %convert_element_type3A_446 = arith.fptosi %broadcast_in_dim3A_445 : vector<2048x1xf32> to vector<2048x1xi32>
    %shift_right_arithmetic3A_447 = arith.constant 8 : i32
    %shift_right_arithmetic3A_448 = vector.broadcast %shift_right_arithmetic3A_447 : i32 to vector<2048x1xi32>
    %shift_right_arithmetic3A_449 = arith.shrsi %convert_element_type3A_446, %shift_right_arithmetic3A_448 : vector<2048x1xi32>
    %convert_element_type3A_450 = arith.sitofp %shift_right_arithmetic3A_449 : vector<2048x1xi32> to vector<2048x1xf32>
    %and3A_451 = arith.constant 255 : i32
    %and3A_452 = vector.broadcast %and3A_451 : i32 to vector<2048x1xi32>
    %and3A_453 = arith.andi %convert_element_type3A_446, %and3A_452 : vector<2048x1xi32>
    %convert_element_type3A_454 = arith.sitofp %and3A_453 : vector<2048x1xi32> to vector<2048x1xf32>
    %eq3A_455 = vector.broadcast %convert_element_type3A_446 : vector<2048x1xi32> to vector<2048x64xi32>
    %eq3A_456 = arith.cmpi eq, %eq3A_455, %iota3A_30 : vector<2048x64xi32>
    %convert_element_type3A_457 = arith.extui %eq3A_456 : vector<2048x64xi1> to vector<2048x64xi32>
    %add3A_458 = arith.constant 1984 : i32
    %add3A_459 = vector.broadcast %add3A_458 : i32 to vector<2048x64xi32>
    %add3A_460 = arith.addi %iota3A_30, %add3A_459 : vector<2048x64xi32>
    %eq3A_461 = vector.broadcast %convert_element_type3A_446 : vector<2048x1xi32> to vector<2048x64xi32>
    %eq3A_462 = arith.cmpi eq, %eq3A_461, %add3A_460 : vector<2048x64xi32>
    %convert_element_type3A_463 = arith.extui %eq3A_462 : vector<2048x64xi1> to vector<2048x64xi32>
    %concatenate3A_464 = tpu.concatenate %convert_element_type3A_457, %convert_element_type3A_463 in 1 : vector<2048x64xi32>, vector<2048x64xi32> -> vector<2048x128xi32>
    %mul3A_465 = vector.broadcast %iota3A_29 : vector<2048x1xi32> to vector<2048x128xi32>
    %mul3A_466 = arith.muli %concatenate3A_464, %mul3A_465 : vector<2048x128xi32>
    %reduce_sum3A_467 = arith.constant dense<0> : vector<128xi32>
    %reduce_sum3A_468 = vector.multi_reduction <add>, %mul3A_466, %reduce_sum3A_467 [0] : vector<2048x128xi32> to vector<128xi32>
    %broadcast_in_dim3A_469 = vector.shape_cast %reduce_sum3A_468 : vector<128xi32> to vector<1x128xi32>
    %slice3A_470 = vector.extract_strided_slice %sub3A {offsets = [0, 192], sizes = [2048, 32], strides = [1, 1]} : vector<2048x256xf32> to vector<2048x32xf32>
    %slice3A_471 = vector.extract_strided_slice %broadcast_in_dim3A_268 {offsets = [0, 192], sizes = [1, 32], strides = [1, 1]} : vector<1x256xf32> to vector<1x32xf32>
    %dot_general3A_472 = arith.constant dense<0.000000e+00> : vector<1x32xf32>
    %dot_general3A_473 = tpu.matmul %slice3A_471, %convert_element_type3A_19, %dot_general3A_472 {dimension_numbers = #tpu.dot_dimension_numbers<[1], [0], [0], [1], [0, 0, 1, 1], [], []>, precision = #tpu.contract_precision<fp32>, transpose_lhs_hint = false} : vector<1x32xf32>, vector<32x32xf32>, vector<1x32xf32> -> vector<1x32xf32>
    %add3A_474 = vector.broadcast %dot_general3A_473 : vector<1x32xf32> to vector<2048x32xf32>
    %add3A_475 = arith.addf %slice3A_470, %add3A_474 : vector<2048x32xf32>
    %mul3A_476 = arith.mulf %convert_element_type3A_176, %add3A_475 : vector<2048x32xf32>
    %reduce_sum3A_477 = arith.constant dense<0.000000e+00> : vector<2048xf32>
    %reduce_sum3A_478 = vector.multi_reduction <add>, %mul3A_476, %reduce_sum3A_477 [1] : vector<2048x32xf32> to vector<2048xf32>
    %broadcast_in_dim3A_479 = vector.shape_cast %reduce_sum3A_478 : vector<2048xf32> to vector<2048x1xf32>
    %convert_element_type3A_480 = arith.fptosi %broadcast_in_dim3A_479 : vector<2048x1xf32> to vector<2048x1xi32>
    %shift_right_arithmetic3A_481 = arith.constant 8 : i32
    %shift_right_arithmetic3A_482 = vector.broadcast %shift_right_arithmetic3A_481 : i32 to vector<2048x1xi32>
    %shift_right_arithmetic3A_483 = arith.shrsi %convert_element_type3A_480, %shift_right_arithmetic3A_482 : vector<2048x1xi32>
    %convert_element_type3A_484 = arith.sitofp %shift_right_arithmetic3A_483 : vector<2048x1xi32> to vector<2048x1xf32>
    %and3A_485 = arith.constant 255 : i32
    %and3A_486 = vector.broadcast %and3A_485 : i32 to vector<2048x1xi32>
    %and3A_487 = arith.andi %convert_element_type3A_480, %and3A_486 : vector<2048x1xi32>
    %convert_element_type3A_488 = arith.sitofp %and3A_487 : vector<2048x1xi32> to vector<2048x1xf32>
    %eq3A_489 = vector.broadcast %convert_element_type3A_480 : vector<2048x1xi32> to vector<2048x64xi32>
    %eq3A_490 = arith.cmpi eq, %eq3A_489, %iota3A_30 : vector<2048x64xi32>
    %convert_element_type3A_491 = arith.extui %eq3A_490 : vector<2048x64xi1> to vector<2048x64xi32>
    %add3A_492 = arith.constant 1984 : i32
    %add3A_493 = vector.broadcast %add3A_492 : i32 to vector<2048x64xi32>
    %add3A_494 = arith.addi %iota3A_30, %add3A_493 : vector<2048x64xi32>
    %eq3A_495 = vector.broadcast %convert_element_type3A_480 : vector<2048x1xi32> to vector<2048x64xi32>
    %eq3A_496 = arith.cmpi eq, %eq3A_495, %add3A_494 : vector<2048x64xi32>
    %convert_element_type3A_497 = arith.extui %eq3A_496 : vector<2048x64xi1> to vector<2048x64xi32>
    %concatenate3A_498 = tpu.concatenate %convert_element_type3A_491, %convert_element_type3A_497 in 1 : vector<2048x64xi32>, vector<2048x64xi32> -> vector<2048x128xi32>
    %mul3A_499 = vector.broadcast %iota3A_29 : vector<2048x1xi32> to vector<2048x128xi32>
    %mul3A_500 = arith.muli %concatenate3A_498, %mul3A_499 : vector<2048x128xi32>
    %reduce_sum3A_501 = arith.constant dense<0> : vector<128xi32>
    %reduce_sum3A_502 = vector.multi_reduction <add>, %mul3A_500, %reduce_sum3A_501 [0] : vector<2048x128xi32> to vector<128xi32>
    %broadcast_in_dim3A_503 = vector.shape_cast %reduce_sum3A_502 : vector<128xi32> to vector<1x128xi32>
    %slice3A_504 = vector.extract_strided_slice %sub3A {offsets = [0, 224], sizes = [2048, 32], strides = [1, 1]} : vector<2048x256xf32> to vector<2048x32xf32>
    %slice3A_505 = vector.extract_strided_slice %broadcast_in_dim3A_268 {offsets = [0, 224], sizes = [1, 32], strides = [1, 1]} : vector<1x256xf32> to vector<1x32xf32>
    %dot_general3A_506 = arith.constant dense<0.000000e+00> : vector<1x32xf32>
    %dot_general3A_507 = tpu.matmul %slice3A_505, %convert_element_type3A_19, %dot_general3A_506 {dimension_numbers = #tpu.dot_dimension_numbers<[1], [0], [0], [1], [0, 0, 1, 1], [], []>, precision = #tpu.contract_precision<fp32>, transpose_lhs_hint = false} : vector<1x32xf32>, vector<32x32xf32>, vector<1x32xf32> -> vector<1x32xf32>
    %add3A_508 = vector.broadcast %dot_general3A_507 : vector<1x32xf32> to vector<2048x32xf32>
    %add3A_509 = arith.addf %slice3A_504, %add3A_508 : vector<2048x32xf32>
    %mul3A_510 = arith.mulf %convert_element_type3A_198, %add3A_509 : vector<2048x32xf32>
    %reduce_sum3A_511 = arith.constant dense<0.000000e+00> : vector<2048xf32>
    %reduce_sum3A_512 = vector.multi_reduction <add>, %mul3A_510, %reduce_sum3A_511 [1] : vector<2048x32xf32> to vector<2048xf32>
    %broadcast_in_dim3A_513 = vector.shape_cast %reduce_sum3A_512 : vector<2048xf32> to vector<2048x1xf32>
    %convert_element_type3A_514 = arith.fptosi %broadcast_in_dim3A_513 : vector<2048x1xf32> to vector<2048x1xi32>
    %shift_right_arithmetic3A_515 = arith.constant 8 : i32
    %shift_right_arithmetic3A_516 = vector.broadcast %shift_right_arithmetic3A_515 : i32 to vector<2048x1xi32>
    %shift_right_arithmetic3A_517 = arith.shrsi %convert_element_type3A_514, %shift_right_arithmetic3A_516 : vector<2048x1xi32>
    %convert_element_type3A_518 = arith.sitofp %shift_right_arithmetic3A_517 : vector<2048x1xi32> to vector<2048x1xf32>
    %and3A_519 = arith.constant 255 : i32
    %and3A_520 = vector.broadcast %and3A_519 : i32 to vector<2048x1xi32>
    %and3A_521 = arith.andi %convert_element_type3A_514, %and3A_520 : vector<2048x1xi32>
    %convert_element_type3A_522 = arith.sitofp %and3A_521 : vector<2048x1xi32> to vector<2048x1xf32>
    %eq3A_523 = vector.broadcast %convert_element_type3A_514 : vector<2048x1xi32> to vector<2048x64xi32>
    %eq3A_524 = arith.cmpi eq, %eq3A_523, %iota3A_30 : vector<2048x64xi32>
    %convert_element_type3A_525 = arith.extui %eq3A_524 : vector<2048x64xi1> to vector<2048x64xi32>
    %add3A_526 = arith.constant 1984 : i32
    %add3A_527 = vector.broadcast %add3A_526 : i32 to vector<2048x64xi32>
    %add3A_528 = arith.addi %iota3A_30, %add3A_527 : vector<2048x64xi32>
    %eq3A_529 = vector.broadcast %convert_element_type3A_514 : vector<2048x1xi32> to vector<2048x64xi32>
    %eq3A_530 = arith.cmpi eq, %eq3A_529, %add3A_528 : vector<2048x64xi32>
    %convert_element_type3A_531 = arith.extui %eq3A_530 : vector<2048x64xi1> to vector<2048x64xi32>
    %concatenate3A_532 = tpu.concatenate %convert_element_type3A_525, %convert_element_type3A_531 in 1 : vector<2048x64xi32>, vector<2048x64xi32> -> vector<2048x128xi32>
    %mul3A_533 = vector.broadcast %iota3A_29 : vector<2048x1xi32> to vector<2048x128xi32>
    %mul3A_534 = arith.muli %concatenate3A_532, %mul3A_533 : vector<2048x128xi32>
    %reduce_sum3A_535 = arith.constant dense<0> : vector<128xi32>
    %reduce_sum3A_536 = vector.multi_reduction <add>, %mul3A_534, %reduce_sum3A_535 [0] : vector<2048x128xi32> to vector<128xi32>
    %broadcast_in_dim3A_537 = vector.shape_cast %reduce_sum3A_536 : vector<128xi32> to vector<1x128xi32>
    %slice3A_538 = vector.extract_strided_slice %broadcast_in_dim3A_299 {offsets = [0, 0], sizes = [1, 64], strides = [1, 1]} : vector<1x128xi32> to vector<1x64xi32>
    %slice3A_539 = vector.extract_strided_slice %broadcast_in_dim3A_537 {offsets = [0, 64], sizes = [1, 64], strides = [1, 1]} : vector<1x128xi32> to vector<1x64xi32>
    %shift_right_arithmetic3A_540 = arith.constant 8 : i32
    %shift_right_arithmetic3A_541 = vector.broadcast %shift_right_arithmetic3A_540 : i32 to vector<1x64xi32>
    %shift_right_arithmetic3A_542 = arith.shrsi %slice3A_538, %shift_right_arithmetic3A_541 : vector<1x64xi32>
    %convert_element_type3A_543 = arith.sitofp %shift_right_arithmetic3A_542 : vector<1x64xi32> to vector<1x64xf32>
    %and3A_544 = arith.constant 255 : i32
    %and3A_545 = vector.broadcast %and3A_544 : i32 to vector<1x64xi32>
    %and3A_546 = arith.andi %slice3A_538, %and3A_545 : vector<1x64xi32>
    %convert_element_type3A_547 = arith.sitofp %and3A_546 : vector<1x64xi32> to vector<1x64xf32>
    %dot_general3A_548 = arith.constant dense<0.000000e+00> : vector<64x1xf32>
    %dot_general3A_549 = tpu.matmul %convert_element_type3A_28, %convert_element_type3A_543, %dot_general3A_548 {dimension_numbers = #tpu.dot_dimension_numbers<[1], [1], [0], [0], [0, 0, 1, 0], [], []>, transpose_lhs_hint = false} : vector<64x64xf32>, vector<1x64xf32>, vector<64x1xf32> -> vector<64x1xf32>
    %dot_general3A_550 = arith.constant dense<0.000000e+00> : vector<64x1xf32>
    %dot_general3A_551 = tpu.matmul %convert_element_type3A_28, %convert_element_type3A_547, %dot_general3A_550 {dimension_numbers = #tpu.dot_dimension_numbers<[1], [1], [0], [0], [0, 0, 1, 0], [], []>, transpose_lhs_hint = false} : vector<64x64xf32>, vector<1x64xf32>, vector<64x1xf32> -> vector<64x1xf32>
    %mul3A_552 = arith.constant 2.560000e+02 : f32
    %mul3A_553 = vector.broadcast %mul3A_552 : f32 to vector<64x1xf32>
    %mul3A_554 = arith.mulf %mul3A_553, %dot_general3A_549 : vector<64x1xf32>
    %add3A_555 = arith.addf %mul3A_554, %dot_general3A_551 : vector<64x1xf32>
    %convert_element_type3A_556 = arith.fptosi %add3A_555 : vector<64x1xf32> to vector<64x1xi32>
    %eq3A_557 = vector.broadcast %convert_element_type3A_556 : vector<64x1xi32> to vector<64x64xi32>
    %eq3A_558 = vector.broadcast %slice3A_539 : vector<1x64xi32> to vector<64x64xi32>
    %eq3A_559 = arith.cmpi eq, %eq3A_557, %eq3A_558 : vector<64x64xi32>
    %convert_element_type3A_560 = arith.extui %eq3A_559 : vector<64x64xi1> to vector<64x64xi32>
    %slice3A_561 = vector.extract_strided_slice %broadcast_in_dim3A_333 {offsets = [0, 0], sizes = [1, 64], strides = [1, 1]} : vector<1x128xi32> to vector<1x64xi32>
    %slice3A_562 = vector.extract_strided_slice %broadcast_in_dim3A_299 {offsets = [0, 64], sizes = [1, 64], strides = [1, 1]} : vector<1x128xi32> to vector<1x64xi32>
    %shift_right_arithmetic3A_563 = arith.constant 8 : i32
    %shift_right_arithmetic3A_564 = vector.broadcast %shift_right_arithmetic3A_563 : i32 to vector<1x64xi32>
    %shift_right_arithmetic3A_565 = arith.shrsi %slice3A_561, %shift_right_arithmetic3A_564 : vector<1x64xi32>
    %convert_element_type3A_566 = arith.sitofp %shift_right_arithmetic3A_565 : vector<1x64xi32> to vector<1x64xf32>
    %and3A_567 = arith.constant 255 : i32
    %and3A_568 = vector.broadcast %and3A_567 : i32 to vector<1x64xi32>
    %and3A_569 = arith.andi %slice3A_561, %and3A_568 : vector<1x64xi32>
    %convert_element_type3A_570 = arith.sitofp %and3A_569 : vector<1x64xi32> to vector<1x64xf32>
    %dot_general3A_571 = arith.constant dense<0.000000e+00> : vector<64x1xf32>
    %dot_general3A_572 = tpu.matmul %convert_element_type3A_28, %convert_element_type3A_566, %dot_general3A_571 {dimension_numbers = #tpu.dot_dimension_numbers<[1], [1], [0], [0], [0, 0, 1, 0], [], []>, transpose_lhs_hint = false} : vector<64x64xf32>, vector<1x64xf32>, vector<64x1xf32> -> vector<64x1xf32>
    %dot_general3A_573 = arith.constant dense<0.000000e+00> : vector<64x1xf32>
    %dot_general3A_574 = tpu.matmul %convert_element_type3A_28, %convert_element_type3A_570, %dot_general3A_573 {dimension_numbers = #tpu.dot_dimension_numbers<[1], [1], [0], [0], [0, 0, 1, 0], [], []>, transpose_lhs_hint = false} : vector<64x64xf32>, vector<1x64xf32>, vector<64x1xf32> -> vector<64x1xf32>
    %mul3A_575 = arith.constant 2.560000e+02 : f32
    %mul3A_576 = vector.broadcast %mul3A_575 : f32 to vector<64x1xf32>
    %mul3A_577 = arith.mulf %mul3A_576, %dot_general3A_572 : vector<64x1xf32>
    %add3A_578 = arith.addf %mul3A_577, %dot_general3A_574 : vector<64x1xf32>
    %convert_element_type3A_579 = arith.fptosi %add3A_578 : vector<64x1xf32> to vector<64x1xi32>
    %eq3A_580 = vector.broadcast %convert_element_type3A_579 : vector<64x1xi32> to vector<64x64xi32>
    %eq3A_581 = vector.broadcast %slice3A_562 : vector<1x64xi32> to vector<64x64xi32>
    %eq3A_582 = arith.cmpi eq, %eq3A_580, %eq3A_581 : vector<64x64xi32>
    %convert_element_type3A_583 = arith.extui %eq3A_582 : vector<64x64xi1> to vector<64x64xi32>
    %slice3A_584 = vector.extract_strided_slice %broadcast_in_dim3A_367 {offsets = [0, 0], sizes = [1, 64], strides = [1, 1]} : vector<1x128xi32> to vector<1x64xi32>
    %slice3A_585 = vector.extract_strided_slice %broadcast_in_dim3A_333 {offsets = [0, 64], sizes = [1, 64], strides = [1, 1]} : vector<1x128xi32> to vector<1x64xi32>
    %shift_right_arithmetic3A_586 = arith.constant 8 : i32
    %shift_right_arithmetic3A_587 = vector.broadcast %shift_right_arithmetic3A_586 : i32 to vector<1x64xi32>
    %shift_right_arithmetic3A_588 = arith.shrsi %slice3A_584, %shift_right_arithmetic3A_587 : vector<1x64xi32>
    %convert_element_type3A_589 = arith.sitofp %shift_right_arithmetic3A_588 : vector<1x64xi32> to vector<1x64xf32>
    %and3A_590 = arith.constant 255 : i32
    %and3A_591 = vector.broadcast %and3A_590 : i32 to vector<1x64xi32>
    %and3A_592 = arith.andi %slice3A_584, %and3A_591 : vector<1x64xi32>
    %convert_element_type3A_593 = arith.sitofp %and3A_592 : vector<1x64xi32> to vector<1x64xf32>
    %dot_general3A_594 = arith.constant dense<0.000000e+00> : vector<64x1xf32>
    %dot_general3A_595 = tpu.matmul %convert_element_type3A_28, %convert_element_type3A_589, %dot_general3A_594 {dimension_numbers = #tpu.dot_dimension_numbers<[1], [1], [0], [0], [0, 0, 1, 0], [], []>, transpose_lhs_hint = false} : vector<64x64xf32>, vector<1x64xf32>, vector<64x1xf32> -> vector<64x1xf32>
    %dot_general3A_596 = arith.constant dense<0.000000e+00> : vector<64x1xf32>
    %dot_general3A_597 = tpu.matmul %convert_element_type3A_28, %convert_element_type3A_593, %dot_general3A_596 {dimension_numbers = #tpu.dot_dimension_numbers<[1], [1], [0], [0], [0, 0, 1, 0], [], []>, transpose_lhs_hint = false} : vector<64x64xf32>, vector<1x64xf32>, vector<64x1xf32> -> vector<64x1xf32>
    %mul3A_598 = arith.constant 2.560000e+02 : f32
    %mul3A_599 = vector.broadcast %mul3A_598 : f32 to vector<64x1xf32>
    %mul3A_600 = arith.mulf %mul3A_599, %dot_general3A_595 : vector<64x1xf32>
    %add3A_601 = arith.addf %mul3A_600, %dot_general3A_597 : vector<64x1xf32>
    %convert_element_type3A_602 = arith.fptosi %add3A_601 : vector<64x1xf32> to vector<64x1xi32>
    %eq3A_603 = vector.broadcast %convert_element_type3A_602 : vector<64x1xi32> to vector<64x64xi32>
    %eq3A_604 = vector.broadcast %slice3A_585 : vector<1x64xi32> to vector<64x64xi32>
    %eq3A_605 = arith.cmpi eq, %eq3A_603, %eq3A_604 : vector<64x64xi32>
    %convert_element_type3A_606 = arith.extui %eq3A_605 : vector<64x64xi1> to vector<64x64xi32>
    %slice3A_607 = vector.extract_strided_slice %broadcast_in_dim3A_401 {offsets = [0, 0], sizes = [1, 64], strides = [1, 1]} : vector<1x128xi32> to vector<1x64xi32>
    %slice3A_608 = vector.extract_strided_slice %broadcast_in_dim3A_367 {offsets = [0, 64], sizes = [1, 64], strides = [1, 1]} : vector<1x128xi32> to vector<1x64xi32>
    %shift_right_arithmetic3A_609 = arith.constant 8 : i32
    %shift_right_arithmetic3A_610 = vector.broadcast %shift_right_arithmetic3A_609 : i32 to vector<1x64xi32>
    %shift_right_arithmetic3A_611 = arith.shrsi %slice3A_607, %shift_right_arithmetic3A_610 : vector<1x64xi32>
    %convert_element_type3A_612 = arith.sitofp %shift_right_arithmetic3A_611 : vector<1x64xi32> to vector<1x64xf32>
    %and3A_613 = arith.constant 255 : i32
    %and3A_614 = vector.broadcast %and3A_613 : i32 to vector<1x64xi32>
    %and3A_615 = arith.andi %slice3A_607, %and3A_614 : vector<1x64xi32>
    %convert_element_type3A_616 = arith.sitofp %and3A_615 : vector<1x64xi32> to vector<1x64xf32>
    %dot_general3A_617 = arith.constant dense<0.000000e+00> : vector<64x1xf32>
    %dot_general3A_618 = tpu.matmul %convert_element_type3A_28, %convert_element_type3A_612, %dot_general3A_617 {dimension_numbers = #tpu.dot_dimension_numbers<[1], [1], [0], [0], [0, 0, 1, 0], [], []>, transpose_lhs_hint = false} : vector<64x64xf32>, vector<1x64xf32>, vector<64x1xf32> -> vector<64x1xf32>
    %dot_general3A_619 = arith.constant dense<0.000000e+00> : vector<64x1xf32>
    %dot_general3A_620 = tpu.matmul %convert_element_type3A_28, %convert_element_type3A_616, %dot_general3A_619 {dimension_numbers = #tpu.dot_dimension_numbers<[1], [1], [0], [0], [0, 0, 1, 0], [], []>, transpose_lhs_hint = false} : vector<64x64xf32>, vector<1x64xf32>, vector<64x1xf32> -> vector<64x1xf32>
    %mul3A_621 = arith.constant 2.560000e+02 : f32
    %mul3A_622 = vector.broadcast %mul3A_621 : f32 to vector<64x1xf32>
    %mul3A_623 = arith.mulf %mul3A_622, %dot_general3A_618 : vector<64x1xf32>
    %add3A_624 = arith.addf %mul3A_623, %dot_general3A_620 : vector<64x1xf32>
    %convert_element_type3A_625 = arith.fptosi %add3A_624 : vector<64x1xf32> to vector<64x1xi32>
    %eq3A_626 = vector.broadcast %convert_element_type3A_625 : vector<64x1xi32> to vector<64x64xi32>
    %eq3A_627 = vector.broadcast %slice3A_608 : vector<1x64xi32> to vector<64x64xi32>
    %eq3A_628 = arith.cmpi eq, %eq3A_626, %eq3A_627 : vector<64x64xi32>
    %convert_element_type3A_629 = arith.extui %eq3A_628 : vector<64x64xi1> to vector<64x64xi32>
    %slice3A_630 = vector.extract_strided_slice %broadcast_in_dim3A_435 {offsets = [0, 0], sizes = [1, 64], strides = [1, 1]} : vector<1x128xi32> to vector<1x64xi32>
    %slice3A_631 = vector.extract_strided_slice %broadcast_in_dim3A_401 {offsets = [0, 64], sizes = [1, 64], strides = [1, 1]} : vector<1x128xi32> to vector<1x64xi32>
    %shift_right_arithmetic3A_632 = arith.constant 8 : i32
    %shift_right_arithmetic3A_633 = vector.broadcast %shift_right_arithmetic3A_632 : i32 to vector<1x64xi32>
    %shift_right_arithmetic3A_634 = arith.shrsi %slice3A_630, %shift_right_arithmetic3A_633 : vector<1x64xi32>
    %convert_element_type3A_635 = arith.sitofp %shift_right_arithmetic3A_634 : vector<1x64xi32> to vector<1x64xf32>
    %and3A_636 = arith.constant 255 : i32
    %and3A_637 = vector.broadcast %and3A_636 : i32 to vector<1x64xi32>
    %and3A_638 = arith.andi %slice3A_630, %and3A_637 : vector<1x64xi32>
    %convert_element_type3A_639 = arith.sitofp %and3A_638 : vector<1x64xi32> to vector<1x64xf32>
    %dot_general3A_640 = arith.constant dense<0.000000e+00> : vector<64x1xf32>
    %dot_general3A_641 = tpu.matmul %convert_element_type3A_28, %convert_element_type3A_635, %dot_general3A_640 {dimension_numbers = #tpu.dot_dimension_numbers<[1], [1], [0], [0], [0, 0, 1, 0], [], []>, transpose_lhs_hint = false} : vector<64x64xf32>, vector<1x64xf32>, vector<64x1xf32> -> vector<64x1xf32>
    %dot_general3A_642 = arith.constant dense<0.000000e+00> : vector<64x1xf32>
    %dot_general3A_643 = tpu.matmul %convert_element_type3A_28, %convert_element_type3A_639, %dot_general3A_642 {dimension_numbers = #tpu.dot_dimension_numbers<[1], [1], [0], [0], [0, 0, 1, 0], [], []>, transpose_lhs_hint = false} : vector<64x64xf32>, vector<1x64xf32>, vector<64x1xf32> -> vector<64x1xf32>
    %mul3A_644 = arith.constant 2.560000e+02 : f32
    %mul3A_645 = vector.broadcast %mul3A_644 : f32 to vector<64x1xf32>
    %mul3A_646 = arith.mulf %mul3A_645, %dot_general3A_641 : vector<64x1xf32>
    %add3A_647 = arith.addf %mul3A_646, %dot_general3A_643 : vector<64x1xf32>
    %convert_element_type3A_648 = arith.fptosi %add3A_647 : vector<64x1xf32> to vector<64x1xi32>
    %eq3A_649 = vector.broadcast %convert_element_type3A_648 : vector<64x1xi32> to vector<64x64xi32>
    %eq3A_650 = vector.broadcast %slice3A_631 : vector<1x64xi32> to vector<64x64xi32>
    %eq3A_651 = arith.cmpi eq, %eq3A_649, %eq3A_650 : vector<64x64xi32>
    %convert_element_type3A_652 = arith.extui %eq3A_651 : vector<64x64xi1> to vector<64x64xi32>
    %slice3A_653 = vector.extract_strided_slice %broadcast_in_dim3A_469 {offsets = [0, 0], sizes = [1, 64], strides = [1, 1]} : vector<1x128xi32> to vector<1x64xi32>
    %slice3A_654 = vector.extract_strided_slice %broadcast_in_dim3A_435 {offsets = [0, 64], sizes = [1, 64], strides = [1, 1]} : vector<1x128xi32> to vector<1x64xi32>
    %shift_right_arithmetic3A_655 = arith.constant 8 : i32
    %shift_right_arithmetic3A_656 = vector.broadcast %shift_right_arithmetic3A_655 : i32 to vector<1x64xi32>
    %shift_right_arithmetic3A_657 = arith.shrsi %slice3A_653, %shift_right_arithmetic3A_656 : vector<1x64xi32>
    %convert_element_type3A_658 = arith.sitofp %shift_right_arithmetic3A_657 : vector<1x64xi32> to vector<1x64xf32>
    %and3A_659 = arith.constant 255 : i32
    %and3A_660 = vector.broadcast %and3A_659 : i32 to vector<1x64xi32>
    %and3A_661 = arith.andi %slice3A_653, %and3A_660 : vector<1x64xi32>
    %convert_element_type3A_662 = arith.sitofp %and3A_661 : vector<1x64xi32> to vector<1x64xf32>
    %dot_general3A_663 = arith.constant dense<0.000000e+00> : vector<64x1xf32>
    %dot_general3A_664 = tpu.matmul %convert_element_type3A_28, %convert_element_type3A_658, %dot_general3A_663 {dimension_numbers = #tpu.dot_dimension_numbers<[1], [1], [0], [0], [0, 0, 1, 0], [], []>, transpose_lhs_hint = false} : vector<64x64xf32>, vector<1x64xf32>, vector<64x1xf32> -> vector<64x1xf32>
    %dot_general3A_665 = arith.constant dense<0.000000e+00> : vector<64x1xf32>
    %dot_general3A_666 = tpu.matmul %convert_element_type3A_28, %convert_element_type3A_662, %dot_general3A_665 {dimension_numbers = #tpu.dot_dimension_numbers<[1], [1], [0], [0], [0, 0, 1, 0], [], []>, transpose_lhs_hint = false} : vector<64x64xf32>, vector<1x64xf32>, vector<64x1xf32> -> vector<64x1xf32>
    %mul3A_667 = arith.constant 2.560000e+02 : f32
    %mul3A_668 = vector.broadcast %mul3A_667 : f32 to vector<64x1xf32>
    %mul3A_669 = arith.mulf %mul3A_668, %dot_general3A_664 : vector<64x1xf32>
    %add3A_670 = arith.addf %mul3A_669, %dot_general3A_666 : vector<64x1xf32>
    %convert_element_type3A_671 = arith.fptosi %add3A_670 : vector<64x1xf32> to vector<64x1xi32>
    %eq3A_672 = vector.broadcast %convert_element_type3A_671 : vector<64x1xi32> to vector<64x64xi32>
    %eq3A_673 = vector.broadcast %slice3A_654 : vector<1x64xi32> to vector<64x64xi32>
    %eq3A_674 = arith.cmpi eq, %eq3A_672, %eq3A_673 : vector<64x64xi32>
    %convert_element_type3A_675 = arith.extui %eq3A_674 : vector<64x64xi1> to vector<64x64xi32>
    %slice3A_676 = vector.extract_strided_slice %broadcast_in_dim3A_503 {offsets = [0, 0], sizes = [1, 64], strides = [1, 1]} : vector<1x128xi32> to vector<1x64xi32>
    %slice3A_677 = vector.extract_strided_slice %broadcast_in_dim3A_469 {offsets = [0, 64], sizes = [1, 64], strides = [1, 1]} : vector<1x128xi32> to vector<1x64xi32>
    %shift_right_arithmetic3A_678 = arith.constant 8 : i32
    %shift_right_arithmetic3A_679 = vector.broadcast %shift_right_arithmetic3A_678 : i32 to vector<1x64xi32>
    %shift_right_arithmetic3A_680 = arith.shrsi %slice3A_676, %shift_right_arithmetic3A_679 : vector<1x64xi32>
    %convert_element_type3A_681 = arith.sitofp %shift_right_arithmetic3A_680 : vector<1x64xi32> to vector<1x64xf32>
    %and3A_682 = arith.constant 255 : i32
    %and3A_683 = vector.broadcast %and3A_682 : i32 to vector<1x64xi32>
    %and3A_684 = arith.andi %slice3A_676, %and3A_683 : vector<1x64xi32>
    %convert_element_type3A_685 = arith.sitofp %and3A_684 : vector<1x64xi32> to vector<1x64xf32>
    %dot_general3A_686 = arith.constant dense<0.000000e+00> : vector<64x1xf32>
    %dot_general3A_687 = tpu.matmul %convert_element_type3A_28, %convert_element_type3A_681, %dot_general3A_686 {dimension_numbers = #tpu.dot_dimension_numbers<[1], [1], [0], [0], [0, 0, 1, 0], [], []>, transpose_lhs_hint = false} : vector<64x64xf32>, vector<1x64xf32>, vector<64x1xf32> -> vector<64x1xf32>
    %dot_general3A_688 = arith.constant dense<0.000000e+00> : vector<64x1xf32>
    %dot_general3A_689 = tpu.matmul %convert_element_type3A_28, %convert_element_type3A_685, %dot_general3A_688 {dimension_numbers = #tpu.dot_dimension_numbers<[1], [1], [0], [0], [0, 0, 1, 0], [], []>, transpose_lhs_hint = false} : vector<64x64xf32>, vector<1x64xf32>, vector<64x1xf32> -> vector<64x1xf32>
    %mul3A_690 = arith.constant 2.560000e+02 : f32
    %mul3A_691 = vector.broadcast %mul3A_690 : f32 to vector<64x1xf32>
    %mul3A_692 = arith.mulf %mul3A_691, %dot_general3A_687 : vector<64x1xf32>
    %add3A_693 = arith.addf %mul3A_692, %dot_general3A_689 : vector<64x1xf32>
    %convert_element_type3A_694 = arith.fptosi %add3A_693 : vector<64x1xf32> to vector<64x1xi32>
    %eq3A_695 = vector.broadcast %convert_element_type3A_694 : vector<64x1xi32> to vector<64x64xi32>
    %eq3A_696 = vector.broadcast %slice3A_677 : vector<1x64xi32> to vector<64x64xi32>
    %eq3A_697 = arith.cmpi eq, %eq3A_695, %eq3A_696 : vector<64x64xi32>
    %convert_element_type3A_698 = arith.extui %eq3A_697 : vector<64x64xi1> to vector<64x64xi32>
    %slice3A_699 = vector.extract_strided_slice %broadcast_in_dim3A_537 {offsets = [0, 0], sizes = [1, 64], strides = [1, 1]} : vector<1x128xi32> to vector<1x64xi32>
    %slice3A_700 = vector.extract_strided_slice %broadcast_in_dim3A_503 {offsets = [0, 64], sizes = [1, 64], strides = [1, 1]} : vector<1x128xi32> to vector<1x64xi32>
    %shift_right_arithmetic3A_701 = arith.constant 8 : i32
    %shift_right_arithmetic3A_702 = vector.broadcast %shift_right_arithmetic3A_701 : i32 to vector<1x64xi32>
    %shift_right_arithmetic3A_703 = arith.shrsi %slice3A_699, %shift_right_arithmetic3A_702 : vector<1x64xi32>
    %convert_element_type3A_704 = arith.sitofp %shift_right_arithmetic3A_703 : vector<1x64xi32> to vector<1x64xf32>
    %and3A_705 = arith.constant 255 : i32
    %and3A_706 = vector.broadcast %and3A_705 : i32 to vector<1x64xi32>
    %and3A_707 = arith.andi %slice3A_699, %and3A_706 : vector<1x64xi32>
    %convert_element_type3A_708 = arith.sitofp %and3A_707 : vector<1x64xi32> to vector<1x64xf32>
    %dot_general3A_709 = arith.constant dense<0.000000e+00> : vector<64x1xf32>
    %dot_general3A_710 = tpu.matmul %convert_element_type3A_28, %convert_element_type3A_704, %dot_general3A_709 {dimension_numbers = #tpu.dot_dimension_numbers<[1], [1], [0], [0], [0, 0, 1, 0], [], []>, transpose_lhs_hint = false} : vector<64x64xf32>, vector<1x64xf32>, vector<64x1xf32> -> vector<64x1xf32>
    %dot_general3A_711 = arith.constant dense<0.000000e+00> : vector<64x1xf32>
    %dot_general3A_712 = tpu.matmul %convert_element_type3A_28, %convert_element_type3A_708, %dot_general3A_711 {dimension_numbers = #tpu.dot_dimension_numbers<[1], [1], [0], [0], [0, 0, 1, 0], [], []>, transpose_lhs_hint = false} : vector<64x64xf32>, vector<1x64xf32>, vector<64x1xf32> -> vector<64x1xf32>
    %mul3A_713 = arith.constant 2.560000e+02 : f32
    %mul3A_714 = vector.broadcast %mul3A_713 : f32 to vector<64x1xf32>
    %mul3A_715 = arith.mulf %mul3A_714, %dot_general3A_710 : vector<64x1xf32>
    %add3A_716 = arith.addf %mul3A_715, %dot_general3A_712 : vector<64x1xf32>
    %convert_element_type3A_717 = arith.fptosi %add3A_716 : vector<64x1xf32> to vector<64x1xi32>
    %eq3A_718 = vector.broadcast %convert_element_type3A_717 : vector<64x1xi32> to vector<64x64xi32>
    %eq3A_719 = vector.broadcast %slice3A_700 : vector<1x64xi32> to vector<64x64xi32>
    %eq3A_720 = arith.cmpi eq, %eq3A_718, %eq3A_719 : vector<64x64xi32>
    %convert_element_type3A_721 = arith.extui %eq3A_720 : vector<64x64xi1> to vector<64x64xi32>
    %concatenate3A_722 = tpu.concatenate %convert_element_type3A_560, %convert_element_type3A_583, %convert_element_type3A_606, %convert_element_type3A_629, %convert_element_type3A_652, %convert_element_type3A_675, %convert_element_type3A_698, %convert_element_type3A_721 in 0 : vector<64x64xi32>, vector<64x64xi32>, vector<64x64xi32>, vector<64x64xi32>, vector<64x64xi32>, vector<64x64xi32>, vector<64x64xi32>, vector<64x64xi32> -> vector<512x64xi32>
    %swap3A_723 = arith.constant 0 : index
    %swap3A_724 = arith.constant 0 : index
    %swap3A_725 = arith.constant 0 : index
    %swap3A_726 = vector.load %arg6[%swap3A_723, %swap3A_724, %swap3A_725] : memref<1x512x64xi32, #tpu.memory_space<vmem>>, vector<1x512x64xi32>
    %swap3A_727 = vector.shape_cast %swap3A_726 : vector<1x512x64xi32> to vector<512x64xi32>
    %swap3A_728 = vector.shape_cast %concatenate3A_722 : vector<512x64xi32> to vector<1x512x64xi32>
    tpu.vector_store %arg6[%swap3A_723, %swap3A_724, %swap3A_725], %swap3A_728 {strides = array<i32>} : memref<1x512x64xi32, #tpu.memory_space<vmem>>, vector<1x512x64xi32>,
    %concatenate3A_729 = tpu.concatenate %convert_element_type3A_281, %convert_element_type3A_314, %convert_element_type3A_348, %convert_element_type3A_382, %convert_element_type3A_416, %convert_element_type3A_450, %convert_element_type3A_484, %convert_element_type3A_518, %convert_element_type3A_284, %convert_element_type3A_318, %convert_element_type3A_352, %convert_element_type3A_386, %convert_element_type3A_420, %convert_element_type3A_454, %convert_element_type3A_488, %convert_element_type3A_522 in 1 : vector<2048x1xf32>, vector<2048x1xf32>, vector<2048x1xf32>, vector<2048x1xf32>, vector<2048x1xf32>, vector<2048x1xf32>, vector<2048x1xf32>, vector<2048x1xf32>, vector<2048x1xf32>, vector<2048x1xf32>, vector<2048x1xf32>, vector<2048x1xf32>, vector<2048x1xf32>, vector<2048x1xf32>, vector<2048x1xf32>, vector<2048x1xf32> -> vector<2048x16xf32>
    %dot_general3A_730 = arith.constant dense<0.000000e+00> : vector<16x2048xf32>
    %dot_general3A_731 = tpu.matmul %concatenate3A_729, %convert_element_type3A_23, %dot_general3A_730 {dimension_numbers = #tpu.dot_dimension_numbers<[0], [0], [1], [1], [0, 1, 1, 1], [], []>, transpose_lhs_hint = false} : vector<2048x16xf32>, vector<2048x2048xf32>, vector<16x2048xf32> -> vector<16x2048xf32>
    %slice3A_732 = vector.extract_strided_slice %dot_general3A_731 {offsets = [0, 0], sizes = [8, 2048], strides = [1, 1]} : vector<16x2048xf32> to vector<8x2048xf32>
    %mul3A_733 = arith.constant 2.560000e+02 : f32
    %mul3A_734 = vector.broadcast %mul3A_733 : f32 to vector<8x2048xf32>
    %mul3A_735 = arith.mulf %mul3A_734, %slice3A_732 : vector<8x2048xf32>
    %slice3A_736 = vector.extract_strided_slice %dot_general3A_731 {offsets = [8, 0], sizes = [8, 2048], strides = [1, 1]} : vector<16x2048xf32> to vector<8x2048xf32>
    %add3A_737 = arith.addf %mul3A_735, %slice3A_736 : vector<8x2048xf32>
    %convert_element_type3A_738 = arith.fptosi %add3A_737 : vector<8x2048xf32> to vector<8x2048xi32>
    %iota3A_739 = tpu.iota {dimensions = array<i32: 0>} : vector<8x2048xi32>
    %mul3A_740 = arith.constant 8 : i32
    %mul3A_741 = arith.muli %arg0, %mul3A_740 : i32
    %add3A_742 = vector.broadcast %mul3A_741 : i32 to vector<8x2048xi32>
    %add3A_743 = arith.addi %add3A_742, %iota3A_739 : vector<8x2048xi32>
    %mul3A_744 = arith.constant 2048 : i32
    %mul3A_745 = vector.broadcast %mul3A_744 : i32 to vector<8x2048xi32>
    %mul3A_746 = arith.muli %add3A_743, %mul3A_745 : vector<8x2048xi32>
    %add3A_747 = arith.addi %convert_element_type3A_738, %mul3A_746 : vector<8x2048xi32>
    %swap3A_748 = arith.constant 0 : index
    %swap3A_749 = arith.constant 0 : index
    %swap3A_750 = arith.constant 0 : index
    %swap3A_751 = vector.load %arg4[%swap3A_748, %swap3A_749, %swap3A_750] : memref<1x8x2048xi32, #tpu.memory_space<vmem>>, vector<1x8x2048xi32>
    %swap3A_752 = vector.shape_cast %swap3A_751 : vector<1x8x2048xi32> to vector<8x2048xi32>
    %swap3A_753 = vector.shape_cast %add3A_747 : vector<8x2048xi32> to vector<1x8x2048xi32>
    tpu.vector_store %arg4[%swap3A_748, %swap3A_749, %swap3A_750], %swap3A_753 {strides = array<i32>} : memref<1x8x2048xi32, #tpu.memory_space<vmem>>, vector<1x8x2048xi32>,
    return
  }
  func.func @transform_0(%arg0: i32) -> (i32, i32, i32) {
    %c0_i32 = arith.constant 0 : i32
    %c0_i32_0 = arith.constant 0 : i32
    %c0_i32_1 = arith.constant 0 : i32
    return %arg0, %c0_i32, %c0_i32_0 : i32, i32, i32
  }
  func.func @transform_1(%arg0: i32) -> (i32, i32, i32) {
    %c0_i32 = arith.constant 0 : i32
    %c0_i32_0 = arith.constant 0 : i32
    %c0_i32_1 = arith.constant 0 : i32
    return %arg0, %c0_i32, %c0_i32_0 : i32, i32, i32
  }
  func.func @transform_2(%arg0: i32) -> (i32, i32) {
    %c0_i32 = arith.constant 0 : i32
    %c0_i32_0 = arith.constant 0 : i32
    %c0_i32_1 = arith.constant 0 : i32
    return %c0_i32, %c0_i32_0 : i32, i32
  }
  func.func @transform_3(%arg0: i32) -> (i32, i32, i32) {
    %c0_i32 = arith.constant 0 : i32
    %c0_i32_0 = arith.constant 0 : i32
    %c0_i32_1 = arith.constant 0 : i32
    return %arg0, %c0_i32, %c0_i32_0 : i32, i32, i32
  }
  func.func @transform_4(%arg0: i32) -> (i32, i32, i32) {
    %c0_i32 = arith.constant 0 : i32
    %c0_i32_0 = arith.constant 0 : i32
    %c0_i32_1 = arith.constant 0 : i32
    return %arg0, %c0_i32, %c0_i32_0 : i32, i32, i32
  }
  func.func @transform_5(%arg0: i32) -> (i32, i32, i32) {
    %c0_i32 = arith.constant 0 : i32
    %c0_i32_0 = arith.constant 0 : i32
    %c0_i32_1 = arith.constant 0 : i32
    return %arg0, %c0_i32, %c0_i32_0 : i32, i32, i32
  }
}

module attributes {stable_mosaic.version = 14 : i64} {
  func.func @_attn_body(%arg0: i32, %arg1: i32, %arg2: memref<1x1024x128xf32, #tpu.memory_space<vmem>>, %arg3: memref<1x1024x128xf32, #tpu.memory_space<vmem>>, %arg4: memref<1x64x64xi32, #tpu.memory_space<vmem>>, %arg5: memref<1x1024x128xf32, #tpu.memory_space<vmem>>) attributes {dimension_semantics = [#tpu.dimension_semantics<arbitrary>, #tpu.dimension_semantics<arbitrary>], iteration_bounds = array<i64: 16, 16>, scalar_prefetch = 0 : i64, scratch_operands = 0 : i64, tpu.core_type = #tpu.core_type<tc>, window_params = [{transform_indices = @transform_0, window_bounds = array<i64: 1, 1024, 128>}, {transform_indices = @transform_1, window_bounds = array<i64: 1, 1024, 128>}, {transform_indices = @transform_2, window_bounds = array<i64: 1, 64, 64>}, {transform_indices = @transform_3, window_bounds = array<i64: 1, 1024, 128>}]} {
    %get3A = arith.constant 0 : index
    %get3A_0 = arith.constant 0 : index
    %get3A_1 = arith.constant 0 : index
    %get3A_2 = vector.load %arg2[%get3A, %get3A_0, %get3A_1] : memref<1x1024x128xf32, #tpu.memory_space<vmem>>, vector<1x1024x128xf32>
    %get3A_3 = vector.shape_cast %get3A_2 : vector<1x1024x128xf32> to vector<1024x128xf32>
    %get3A_4 = arith.constant 0 : index
    %get3A_5 = arith.constant 0 : index
    %get3A_6 = arith.constant 0 : index
    %get3A_7 = vector.load %arg3[%get3A_4, %get3A_5, %get3A_6] : memref<1x1024x128xf32, #tpu.memory_space<vmem>>, vector<1x1024x128xf32>
    %get3A_8 = vector.shape_cast %get3A_7 : vector<1x1024x128xf32> to vector<1024x128xf32>
    %slice3A = vector.extract_strided_slice %get3A_3 {offsets = [0, 0], sizes = [1024, 64], strides = [1, 1]} : vector<1024x128xf32> to vector<1024x64xf32>
    %slice3A_9 = vector.extract_strided_slice %get3A_3 {offsets = [0, 64], sizes = [1024, 64], strides = [1, 1]} : vector<1024x128xf32> to vector<1024x64xf32>
    %slice3A_10 = vector.extract_strided_slice %get3A_8 {offsets = [0, 0], sizes = [1024, 64], strides = [1, 1]} : vector<1024x128xf32> to vector<1024x64xf32>
    %slice3A_11 = vector.extract_strided_slice %get3A_8 {offsets = [0, 64], sizes = [1024, 64], strides = [1, 1]} : vector<1024x128xf32> to vector<1024x64xf32>
    %get3A_12 = arith.constant 0 : index
    %get3A_13 = arith.constant 0 : index
    %get3A_14 = arith.constant 0 : index
    %get3A_15 = vector.load %arg4[%get3A_12, %get3A_13, %get3A_14] : memref<1x64x64xi32, #tpu.memory_space<vmem>>, vector<1x64x64xi32>
    %get3A_16 = vector.shape_cast %get3A_15 : vector<1x64x64xi32> to vector<64x64xi32>
    %mul3A = arith.mulf %slice3A, %slice3A : vector<1024x64xf32>
    %reduce_sum3A = arith.constant dense<0.000000e+00> : vector<1024xf32>
    %reduce_sum3A_17 = vector.multi_reduction <add>, %mul3A, %reduce_sum3A [1] : vector<1024x64xf32> to vector<1024xf32>
    %broadcast_in_dim3A = vector.shape_cast %reduce_sum3A_17 : vector<1024xf32> to vector<1024x1xf32>
    %sqrt3A = math.sqrt %broadcast_in_dim3A : vector<1024x1xf32>
    %max3A = arith.constant 9.99999996E-13 : f32
    %max3A_18 = vector.broadcast %max3A : f32 to vector<1024x1xf32>
    %max3A_19 = arith.maximumf %sqrt3A, %max3A_18 : vector<1024x1xf32>
    %div3A = vector.broadcast %max3A_19 : vector<1024x1xf32> to vector<1024x64xf32>
    %div3A_20 = arith.divf %slice3A, %div3A : vector<1024x64xf32>
    %slice3A_21 = vector.extract_strided_slice %slice3A_10 {offsets = [960, 0], sizes = [64, 64], strides = [1, 1]} : vector<1024x64xf32> to vector<64x64xf32>
    %mul3A_22 = arith.mulf %slice3A_21, %slice3A_21 : vector<64x64xf32>
    %reduce_sum3A_23 = arith.constant dense<0.000000e+00> : vector<64xf32>
    %reduce_sum3A_24 = vector.multi_reduction <add>, %mul3A_22, %reduce_sum3A_23 [1] : vector<64x64xf32> to vector<64xf32>
    %broadcast_in_dim3A_25 = vector.shape_cast %reduce_sum3A_24 : vector<64xf32> to vector<64x1xf32>
    %sqrt3A_26 = math.sqrt %broadcast_in_dim3A_25 : vector<64x1xf32>
    %max3A_27 = arith.constant 9.99999996E-13 : f32
    %max3A_28 = vector.broadcast %max3A_27 : f32 to vector<64x1xf32>
    %max3A_29 = arith.maximumf %sqrt3A_26, %max3A_28 : vector<64x1xf32>
    %div3A_30 = vector.broadcast %max3A_29 : vector<64x1xf32> to vector<64x64xf32>
    %div3A_31 = arith.divf %slice3A_21, %div3A_30 : vector<64x64xf32>
    %slice3A_32 = vector.extract_strided_slice %div3A_20 {offsets = [0, 0], sizes = [960, 64], strides = [1, 1]} : vector<1024x64xf32> to vector<960x64xf32>
    %concatenate3A = tpu.concatenate %div3A_31, %slice3A_32 in 0 : vector<64x64xf32>, vector<960x64xf32> -> vector<1024x64xf32>
    %slice3A_33 = vector.extract_strided_slice %slice3A_11 {offsets = [960, 0], sizes = [64, 64], strides = [1, 1]} : vector<1024x64xf32> to vector<64x64xf32>
    %slice3A_34 = vector.extract_strided_slice %slice3A_9 {offsets = [0, 0], sizes = [960, 64], strides = [1, 1]} : vector<1024x64xf32> to vector<960x64xf32>
    %concatenate3A_35 = tpu.concatenate %slice3A_33, %slice3A_34 in 0 : vector<64x64xf32>, vector<960x64xf32> -> vector<1024x64xf32>
    %reshape3A = vector.shape_cast %slice3A : vector<1024x64xf32> to vector<16x64x64xf32>
    %reshape3A_36 = vector.shape_cast %div3A_20 : vector<1024x64xf32> to vector<16x64x64xf32>
    %reshape3A_37 = vector.shape_cast %concatenate3A : vector<1024x64xf32> to vector<16x64x64xf32>
    %reshape3A_38 = vector.shape_cast %slice3A_9 : vector<1024x64xf32> to vector<16x64x64xf32>
    %reshape3A_39 = vector.shape_cast %concatenate3A_35 : vector<1024x64xf32> to vector<16x64x64xf32>
    %dot_general3A = arith.constant dense<0.000000e+00> : vector<16x64x64xf32>
    %dot_general3A_40 = tpu.matmul %reshape3A, %reshape3A_36, %dot_general3A {dimension_numbers = #tpu.dot_dimension_numbers<[2], [2], [1], [1], [0, 0, 0, 1, 1, 1], [0], [0]>, transpose_lhs_hint = false} : vector<16x64x64xf32>, vector<16x64x64xf32>, vector<16x64x64xf32> -> vector<16x64x64xf32>
    %mul3A_41 = arith.constant 1.250000e-01 : f32
    %mul3A_42 = vector.broadcast %mul3A_41 : f32 to vector<16x64x64xf32>
    %mul3A_43 = arith.mulf %dot_general3A_40, %mul3A_42 : vector<16x64x64xf32>
    %dot_general3A_44 = arith.constant dense<0.000000e+00> : vector<16x64x64xf32>
    %dot_general3A_45 = tpu.matmul %reshape3A, %reshape3A_37, %dot_general3A_44 {dimension_numbers = #tpu.dot_dimension_numbers<[2], [2], [1], [1], [0, 0, 0, 1, 1, 1], [0], [0]>, transpose_lhs_hint = false} : vector<16x64x64xf32>, vector<16x64x64xf32>, vector<16x64x64xf32> -> vector<16x64x64xf32>
    %mul3A_46 = arith.constant 1.250000e-01 : f32
    %mul3A_47 = vector.broadcast %mul3A_46 : f32 to vector<16x64x64xf32>
    %mul3A_48 = arith.mulf %dot_general3A_45, %mul3A_47 : vector<16x64x64xf32>
    %iota3A = tpu.iota {dimensions = array<i32: 1>} : vector<16x64x64xi32>
    %iota3A_49 = tpu.iota {dimensions = array<i32: 2>} : vector<16x64x64xi32>
    %eq3A = arith.cmpi eq, %iota3A, %iota3A_49 : vector<16x64x64xi32>
    %convert_element_type3A = arith.extui %eq3A : vector<16x64x64xi1> to vector<16x64x64xi32>
    %jit3A = arith.constant 2 : i32
    %eq3A_50 = arith.constant 0 : i32
    %eq3A_51 = arith.cmpi eq, %jit3A, %eq3A_50 : i32
    %jit3A_52 = arith.constant 1 : i32
    %select_n3A = arith.select %eq3A_51, %jit3A_52, %jit3A : i32
    %rem3A = arith.remsi %arg1, %select_n3A : i32
    %ne3A = arith.constant 0 : i32
    %ne3A_53 = arith.cmpi ne, %rem3A, %ne3A : i32
    %lt3A = arith.constant 0 : i32
    %lt3A_54 = arith.cmpi slt, %rem3A, %lt3A : i32
    %lt3A_55 = arith.constant 0 : i32
    %lt3A_56 = arith.cmpi slt, %select_n3A, %lt3A_55 : i32
    %ne3A_57 = arith.xori %lt3A_54, %lt3A_56 : i1
    %and3A = arith.andi %ne3A_57, %ne3A_53 : i1
    %add3A = arith.addi %rem3A, %select_n3A : i32
    %select_n3A_58 = arith.select %and3A, %add3A, %rem3A : i32
    %sub3A = arith.constant 1 : i32
    %sub3A_59 = arith.subi %sub3A, %select_n3A_58 : i32
    %iota3A_60 = tpu.iota {dimensions = array<i32: 0>} : vector<16x64x64xi32>
    %eq3A_61 = arith.constant 0 : i32
    %eq3A_62 = vector.broadcast %eq3A_61 : i32 to vector<16x64x64xi32>
    %eq3A_63 = arith.cmpi eq, %iota3A_60, %eq3A_62 : vector<16x64x64xi32>
    %convert_element_type3A_64 = arith.extui %eq3A_63 : vector<16x64x64xi1> to vector<16x64x64xi32>
    %broadcast_in_dim3A_65 = vector.shape_cast %get3A_16 : vector<64x64xi32> to vector<1x64x64xi32>
    %mul3A_66 = vector.broadcast %sub3A_59 : i32 to vector<16x64x64xi32>
    %mul3A_67 = arith.muli %convert_element_type3A_64, %mul3A_66 : vector<16x64x64xi32>
    %mul3A_68 = vector.broadcast %broadcast_in_dim3A_65 : vector<1x64x64xi32> to vector<16x64x64xi32>
    %mul3A_69 = arith.muli %mul3A_68, %mul3A_67 : vector<16x64x64xi32>
    %gt3A = arith.constant 0 : i32
    %gt3A_70 = vector.broadcast %gt3A : i32 to vector<16x64x64xi32>
    %gt3A_71 = arith.cmpi sgt, %convert_element_type3A, %gt3A_70 : vector<16x64x64xi32>
    %jit3A_72 = arith.constant -5.000000e+04 : f32
    %broadcast_in_dim3A_73 = vector.broadcast %jit3A_72 : f32 to vector<16x64x64xf32>
    %select_n3A_74 = arith.select %gt3A_71, %broadcast_in_dim3A_73, %mul3A_43 : vector<16x64x64xi1>, vector<16x64x64xf32>
    %gt3A_75 = arith.constant 0 : i32
    %gt3A_76 = vector.broadcast %gt3A_75 : i32 to vector<16x64x64xi32>
    %gt3A_77 = arith.cmpi sgt, %mul3A_69, %gt3A_76 : vector<16x64x64xi32>
    %jit3A_78 = arith.constant -5.000000e+04 : f32
    %broadcast_in_dim3A_79 = vector.broadcast %jit3A_78 : f32 to vector<16x64x64xf32>
    %select_n3A_80 = arith.select %gt3A_77, %broadcast_in_dim3A_79, %mul3A_48 : vector<16x64x64xi1>, vector<16x64x64xf32>
    %reduce_max3A = arith.constant dense<0xFF800000> : vector<16x64xf32>
    %reduce_max3A_81 = vector.multi_reduction <maximumf>, %select_n3A_74, %reduce_max3A [2] : vector<16x64x64xf32> to vector<16x64xf32>
    %broadcast_in_dim3A_82 = vector.shape_cast %reduce_max3A_81 : vector<16x64xf32> to vector<16x64x1xf32>
    %reduce_max3A_83 = arith.constant dense<0xFF800000> : vector<16x64xf32>
    %reduce_max3A_84 = vector.multi_reduction <maximumf>, %select_n3A_80, %reduce_max3A_83 [2] : vector<16x64x64xf32> to vector<16x64xf32>
    %broadcast_in_dim3A_85 = vector.shape_cast %reduce_max3A_84 : vector<16x64xf32> to vector<16x64x1xf32>
    %max3A_86 = arith.maximumf %broadcast_in_dim3A_82, %broadcast_in_dim3A_85 : vector<16x64x1xf32>
    %sub3A_87 = vector.broadcast %max3A_86 : vector<16x64x1xf32> to vector<16x64x64xf32>
    %sub3A_88 = arith.subf %select_n3A_74, %sub3A_87 : vector<16x64x64xf32>
    %exp3A = math.exp %sub3A_88 : vector<16x64x64xf32>
    %sub3A_89 = vector.broadcast %max3A_86 : vector<16x64x1xf32> to vector<16x64x64xf32>
    %sub3A_90 = arith.subf %select_n3A_80, %sub3A_89 : vector<16x64x64xf32>
    %exp3A_91 = math.exp %sub3A_90 : vector<16x64x64xf32>
    %reduce_sum3A_92 = arith.constant dense<0.000000e+00> : vector<16x64xf32>
    %reduce_sum3A_93 = vector.multi_reduction <add>, %exp3A, %reduce_sum3A_92 [2] : vector<16x64x64xf32> to vector<16x64xf32>
    %broadcast_in_dim3A_94 = vector.shape_cast %reduce_sum3A_93 : vector<16x64xf32> to vector<16x64x1xf32>
    %reduce_sum3A_95 = arith.constant dense<0.000000e+00> : vector<16x64xf32>
    %reduce_sum3A_96 = vector.multi_reduction <add>, %exp3A_91, %reduce_sum3A_95 [2] : vector<16x64x64xf32> to vector<16x64xf32>
    %broadcast_in_dim3A_97 = vector.shape_cast %reduce_sum3A_96 : vector<16x64xf32> to vector<16x64x1xf32>
    %add3A_98 = arith.addf %broadcast_in_dim3A_94, %broadcast_in_dim3A_97 : vector<16x64x1xf32>
    %log3A = math.log %add3A_98 : vector<16x64x1xf32>
    %add3A_99 = arith.addf %max3A_86, %log3A : vector<16x64x1xf32>
    %div3A_100 = vector.broadcast %add3A_98 : vector<16x64x1xf32> to vector<16x64x64xf32>
    %div3A_101 = arith.divf %exp3A, %div3A_100 : vector<16x64x64xf32>
    %dot_general3A_102 = arith.constant dense<0.000000e+00> : vector<16x64x64xf32>
    %dot_general3A_103 = tpu.matmul %div3A_101, %reshape3A_38, %dot_general3A_102 {dimension_numbers = #tpu.dot_dimension_numbers<[2], [1], [1], [2], [0, 0, 0, 1, 1, 2], [0], [0]>, transpose_lhs_hint = false} : vector<16x64x64xf32>, vector<16x64x64xf32>, vector<16x64x64xf32> -> vector<16x64x64xf32>
    %div3A_104 = vector.broadcast %add3A_98 : vector<16x64x1xf32> to vector<16x64x64xf32>
    %div3A_105 = arith.divf %exp3A_91, %div3A_104 : vector<16x64x64xf32>
    %dot_general3A_106 = arith.constant dense<0.000000e+00> : vector<16x64x64xf32>
    %dot_general3A_107 = tpu.matmul %div3A_105, %reshape3A_39, %dot_general3A_106 {dimension_numbers = #tpu.dot_dimension_numbers<[2], [1], [1], [2], [0, 0, 0, 1, 1, 2], [0], [0]>, transpose_lhs_hint = false} : vector<16x64x64xf32>, vector<16x64x64xf32>, vector<16x64x64xf32> -> vector<16x64x64xf32>
    %add3A_108 = arith.addf %dot_general3A_103, %dot_general3A_107 : vector<16x64x64xf32>
    %reshape3A_109 = vector.shape_cast %add3A_108 : vector<16x64x64xf32> to vector<1024x64xf32>
    %swap3A = arith.constant 0 : index
    %swap3A_110 = arith.constant 0 : index
    %swap3A_111 = arith.constant 0 : index
    %swap3A_112 = vector.load %arg5[%swap3A, %swap3A_110, %swap3A_111] : memref<1x1024x128xf32, #tpu.memory_space<vmem>>, vector<1x1024x64xf32>
    %swap3A_113 = vector.shape_cast %swap3A_112 : vector<1x1024x64xf32> to vector<1024x64xf32>
    %swap3A_114 = vector.shape_cast %reshape3A_109 : vector<1024x64xf32> to vector<1x1024x64xf32>
    tpu.vector_store %arg5[%swap3A, %swap3A_110, %swap3A_111], %swap3A_114 {strides = array<i32>} : memref<1x1024x128xf32, #tpu.memory_space<vmem>>, vector<1x1024x64xf32>,
    %reshape3A_115 = vector.shape_cast %add3A_99 : vector<16x64x1xf32> to vector<1024x1xf32>
    %swap3A_116 = arith.constant 0 : index
    %swap3A_117 = arith.constant 0 : index
    %swap3A_118 = arith.constant 64 : index
    %swap3A_119 = vector.load %arg5[%swap3A_116, %swap3A_117, %swap3A_118] : memref<1x1024x128xf32, #tpu.memory_space<vmem>>, vector<1x1024x1xf32>
    %swap3A_120 = vector.shape_cast %swap3A_119 : vector<1x1024x1xf32> to vector<1024x1xf32>
    %swap3A_121 = vector.shape_cast %reshape3A_115 : vector<1024x1xf32> to vector<1x1024x1xf32>
    tpu.vector_store %arg5[%swap3A_116, %swap3A_117, %swap3A_118], %swap3A_121 {strides = array<i32>} : memref<1x1024x128xf32, #tpu.memory_space<vmem>>, vector<1x1024x1xf32>,
    %broadcast_in_dim3A_122 = arith.constant 0.000000e+00 : f32
    %broadcast_in_dim3A_123 = vector.broadcast %broadcast_in_dim3A_122 : f32 to vector<1024x63xf32>
    %swap3A_124 = arith.constant 0 : index
    %swap3A_125 = arith.constant 0 : index
    %swap3A_126 = arith.constant 65 : index
    %swap3A_127 = vector.load %arg5[%swap3A_124, %swap3A_125, %swap3A_126] : memref<1x1024x128xf32, #tpu.memory_space<vmem>>, vector<1x1024x63xf32>
    %swap3A_128 = vector.shape_cast %swap3A_127 : vector<1x1024x63xf32> to vector<1024x63xf32>
    %swap3A_129 = vector.shape_cast %broadcast_in_dim3A_123 : vector<1024x63xf32> to vector<1x1024x63xf32>
    tpu.vector_store %arg5[%swap3A_124, %swap3A_125, %swap3A_126], %swap3A_129 {strides = array<i32>} : memref<1x1024x128xf32, #tpu.memory_space<vmem>>, vector<1x1024x63xf32>,
    return
  }
  func.func @transform_0(%arg0: i32, %arg1: i32) -> (i32, i32, i32) {
    %c0_i32 = arith.constant 0 : i32
    %c0_i32_0 = arith.constant 0 : i32
    return %arg0, %arg1, %c0_i32 : i32, i32, i32
  }
  func.func @transform_1(%arg0: i32, %arg1: i32) -> (i32, i32, i32) {
    %sub3A = arith.constant 1 : i32
    %sub3A_0 = arith.subi %arg1, %sub3A : i32
    %jit3A = arith.constant 16 : i32
    %eq3A = arith.constant 0 : i32
    %eq3A_1 = arith.cmpi eq, %jit3A, %eq3A : i32
    %jit3A_2 = arith.constant 1 : i32
    %select_n3A = arith.select %eq3A_1, %jit3A_2, %jit3A : i32
    %rem3A = arith.remsi %sub3A_0, %select_n3A : i32
    %ne3A = arith.constant 0 : i32
    %ne3A_3 = arith.cmpi ne, %rem3A, %ne3A : i32
    %lt3A = arith.constant 0 : i32
    %lt3A_4 = arith.cmpi slt, %rem3A, %lt3A : i32
    %lt3A_5 = arith.constant 0 : i32
    %lt3A_6 = arith.cmpi slt, %select_n3A, %lt3A_5 : i32
    %ne3A_7 = arith.xori %lt3A_4, %lt3A_6 : i1
    %and3A = arith.andi %ne3A_7, %ne3A_3 : i1
    %add3A = arith.addi %rem3A, %select_n3A : i32
    %select_n3A_8 = arith.select %and3A, %add3A, %rem3A : i32
    %c0_i32 = arith.constant 0 : i32
    %c0_i32_9 = arith.constant 0 : i32
    return %arg0, %select_n3A_8, %c0_i32 : i32, i32, i32
  }
  func.func @transform_2(%arg0: i32, %arg1: i32) -> (i32, i32, i32) {
    %jit3A = arith.constant 2 : i32
    %div3A = arith.divsi %arg1, %jit3A : i32
    %sign3A = arith.constant 0 : i32
    %sign3A_0 = arith.cmpi sgt, %arg1, %sign3A : i32
    %sign3A_1 = arith.extui %sign3A_0 : i1 to i32
    %sign3A_2 = arith.constant 0 : i32
    %sign3A_3 = arith.cmpi slt, %arg1, %sign3A_2 : i32
    %sign3A_4 = arith.extui %sign3A_3 : i1 to i32
    %sign3A_5 = arith.subi %sign3A_1, %sign3A_4 : i32
    %sign3A_6 = arith.constant 0 : i32
    %sign3A_7 = arith.cmpi sgt, %jit3A, %sign3A_6 : i32
    %sign3A_8 = arith.extui %sign3A_7 : i1 to i32
    %sign3A_9 = arith.constant 0 : i32
    %sign3A_10 = arith.cmpi slt, %jit3A, %sign3A_9 : i32
    %sign3A_11 = arith.extui %sign3A_10 : i1 to i32
    %sign3A_12 = arith.subi %sign3A_8, %sign3A_11 : i32
    %ne3A = arith.cmpi ne, %sign3A_5, %sign3A_12 : i32
    %rem3A = arith.remsi %arg1, %jit3A : i32
    %ne3A_13 = arith.constant 0 : i32
    %ne3A_14 = arith.cmpi ne, %rem3A, %ne3A_13 : i32
    %and3A = arith.andi %ne3A, %ne3A_14 : i1
    %sub3A = arith.constant 1 : i32
    %sub3A_15 = arith.subi %div3A, %sub3A : i32
    %select_n3A = arith.select %and3A, %sub3A_15, %div3A : i32
    %c0_i32 = arith.constant 0 : i32
    %c0_i32_16 = arith.constant 0 : i32
    return %arg0, %select_n3A, %c0_i32 : i32, i32, i32
  }
  func.func @transform_3(%arg0: i32, %arg1: i32) -> (i32, i32, i32) {
    %c0_i32 = arith.constant 0 : i32
    %c0_i32_0 = arith.constant 0 : i32
    return %arg0, %arg1, %c0_i32 : i32, i32, i32
  }
}

module attributes {stable_mosaic.version = 14 : i64} {
  func.func @_combine_body(%arg0: i32, %arg1: i32, %arg2: memref<1x8x512x128xf32, #tpu.memory_space<vmem>>, %arg3: memref<1x512x64xf32, #tpu.memory_space<vmem>>) attributes {dimension_semantics = [#tpu.dimension_semantics<arbitrary>, #tpu.dimension_semantics<arbitrary>], iteration_bounds = array<i64: 16, 4>, scalar_prefetch = 0 : i64, scratch_operands = 0 : i64, tpu.core_type = #tpu.core_type<tc>, window_params = [{transform_indices = @transform_0, window_bounds = array<i64: 1, 8, 512, 128>}, {transform_indices = @transform_1, window_bounds = array<i64: 1, 512, 64>}]} {
    %get3A = arith.constant 0 : index
    %get3A_0 = arith.constant 0 : index
    %get3A_1 = arith.constant 0 : index
    %get3A_2 = arith.constant 0 : index
    %get3A_3 = vector.load %arg2[%get3A, %get3A_0, %get3A_1, %get3A_2] : memref<1x8x512x128xf32, #tpu.memory_space<vmem>>, vector<1x8x512x128xf32>
    %get3A_4 = vector.shape_cast %get3A_3 : vector<1x8x512x128xf32> to vector<8x512x128xf32>
    %slice3A = vector.extract_strided_slice %get3A_4 {offsets = [0, 0, 0], sizes = [8, 512, 64], strides = [1, 1, 1]} : vector<8x512x128xf32> to vector<8x512x64xf32>
    %slice3A_5 = vector.extract_strided_slice %get3A_4 {offsets = [0, 0, 64], sizes = [8, 512, 1], strides = [1, 1, 1]} : vector<8x512x128xf32> to vector<8x512x1xf32>
    %reduce_max3A = arith.constant dense<0xFF800000> : vector<512x1xf32>
    %reduce_max3A_6 = vector.multi_reduction <maximumf>, %slice3A_5, %reduce_max3A [0] : vector<8x512x1xf32> to vector<512x1xf32>
    %broadcast_in_dim3A = vector.shape_cast %reduce_max3A_6 : vector<512x1xf32> to vector<1x512x1xf32>
    %sub3A = vector.broadcast %broadcast_in_dim3A : vector<1x512x1xf32> to vector<8x512x1xf32>
    %sub3A_7 = arith.subf %slice3A_5, %sub3A : vector<8x512x1xf32>
    %exp3A = math.exp %sub3A_7 : vector<8x512x1xf32>
    %reduce_sum3A = arith.constant dense<0.000000e+00> : vector<512x1xf32>
    %reduce_sum3A_8 = vector.multi_reduction <add>, %exp3A, %reduce_sum3A [0] : vector<8x512x1xf32> to vector<512x1xf32>
    %broadcast_in_dim3A_9 = vector.shape_cast %reduce_sum3A_8 : vector<512x1xf32> to vector<1x512x1xf32>
    %div3A = vector.broadcast %broadcast_in_dim3A_9 : vector<1x512x1xf32> to vector<8x512x1xf32>
    %div3A_10 = arith.divf %exp3A, %div3A : vector<8x512x1xf32>
    %mul3A = vector.broadcast %div3A_10 : vector<8x512x1xf32> to vector<8x512x64xf32>
    %mul3A_11 = arith.mulf %slice3A, %mul3A : vector<8x512x64xf32>
    %reduce_sum3A_12 = arith.constant dense<0.000000e+00> : vector<512x64xf32>
    %reduce_sum3A_13 = vector.multi_reduction <add>, %mul3A_11, %reduce_sum3A_12 [0] : vector<8x512x64xf32> to vector<512x64xf32>
    %swap3A = arith.constant 0 : index
    %swap3A_14 = arith.constant 0 : index
    %swap3A_15 = arith.constant 0 : index
    %swap3A_16 = vector.load %arg3[%swap3A, %swap3A_14, %swap3A_15] : memref<1x512x64xf32, #tpu.memory_space<vmem>>, vector<1x512x64xf32>
    %swap3A_17 = vector.shape_cast %swap3A_16 : vector<1x512x64xf32> to vector<512x64xf32>
    %swap3A_18 = vector.shape_cast %reduce_sum3A_13 : vector<512x64xf32> to vector<1x512x64xf32>
    tpu.vector_store %arg3[%swap3A, %swap3A_14, %swap3A_15], %swap3A_18 {strides = array<i32>} : memref<1x512x64xf32, #tpu.memory_space<vmem>>, vector<1x512x64xf32>,
    return
  }
  func.func @transform_0(%arg0: i32, %arg1: i32) -> (i32, i32, i32, i32) {
    %c0_i32 = arith.constant 0 : i32
    %c0_i32_0 = arith.constant 0 : i32
    %c0_i32_1 = arith.constant 0 : i32
    return %arg0, %c0_i32, %arg1, %c0_i32_0 : i32, i32, i32, i32
  }
  func.func @transform_1(%arg0: i32, %arg1: i32) -> (i32, i32, i32) {
    %c0_i32 = arith.constant 0 : i32
    %c0_i32_0 = arith.constant 0 : i32
    return %arg0, %arg1, %c0_i32 : i32, i32, i32
  }
}

</mosaic_0001>

<sc_bundles>
// kernel: kernel.10.cloned.1.call-start
scs
__scs_entry_jumppad:
0x0: {  	(pc) =	sbr.rel $0x88, $3  }
0x1: {  	(tag) =	ssettag $0x0;
	lr =	simm.s32 $0x1  }
0x2: {  	[smem:$0x3F9E] =	sst lr;
	_ =	strace $0xD0000000  }
0x3: {  	_ = 	snop  }
0x4: {  	_ = 	snop  }
0x5: {  	_ = 	snop  }
0x6: {  	_ = 	snop  }
0x7: {  	_ = 	snop  }
__scs_overlays_trampoline_lowered:
0x8: {  	[smem:$0x3FAD] =	sst s0  }
0x9: {  	[smem:$0x3FAE] =	sst s1  }
0xa: {  	[smem:$0x3FAF] =	sst s2  }
0xb: {  	[smem:$0x3FB0] =	sst s3  }
0xc: {  	[smem:$0x3FB1] =	sst s4  }
0xd: {  	[smem:$0x3FB2] =	sst s5  }
0xe: {  	[smem:$0x3FB3] =	sst s6  }
0xf: {  	[smem:$0x3FB4] =	sst s7  }
0x10: {  	[smem:$0x3FB5] =	sst s8  }
0x11: {  	[smem:$0x3FB6] =	sst s9;
	s0 =	simm.s32 @!p0 $0x0  }
0x12: {  	s1 =	sld [smem:$0x3F9C];
	s0 =	simm.s32 @p0 $0x1  }
0x13: {  	[smem:$0x3FB7] =	sst s0;
	s0 =	simm.s32 @!p1 $0x0  }
0x14: {  	s2 =	sld [smem:$0x3F9B];
	s0 =	simm.s32 @p1 $0x1  }
0x15: {  	[smem:$0x3FB8] =	sst s0;
	s0 =	simm.s32 @!p2 $0x0  }
0x16: {  	s3 =	sld [smem:$0x3FDB];
	s0 =	simm.s32 @p2 $0x1  }
0x17: {  	s4 =	simm.s32 $0x1BF5;
	[smem:$0x3FBA] =	sst s0  }
0x18: {  	s0 =	sld [smem:$0x3F9D];
	_ =	swait.ge [sflag:s4], $0x0  }
0x19: {  	s7 =	sld [smem:$0x3F9E]  }
0x1a: {  	s8 =	sadd.s32 $0xFFFFE003, lr  }
0x1b: {  	s9 =	sadd.s32 $0xFFFFFEF7, lr;
	s5 =	simm.s32 $0xFFFFFFFF;
	p2 =	slt.u32 s8, $0xFFFFF086  }
0x1c: {  	p1 =	slt.u32 s9, $0xF7A;
	s5 =	simm.s32 @!p2 $0x0  }
0x1d: {  	s5 =	simm.s32 @p1 $0x1;
	p0 =	seq.s32 s7, s2  }
0x1e: {  	s7 =	smul.u32 @!p0 $0xF7A, s2;
	p2 =	seq.s32 @!p0 s5, $0x0  }
0x1f: {  	s9 =	smul.u32 $0xF7A, s1;
	s8 =	simm.s32 @!p0 $0x1BF5;
	p2 =	por !p2, p0  }
0x20: {  	[sflag:s8] =	ssyncset.s32 @!p0 $0xFFFFF086;
	s6 =	sadd.s32 @!p0 s3, s7;
	s7 =	simm.s32 @!p0 $0x108  }
0x21: {  	s3 =	sadd.s32 s3, s9;
	s6 =	sadd.s32 @!p0 $0x88, s6;
	s7 =	simm.s32 @p2 $0x1082  }
0x22: {  	[simem:s7], [sflag:s8] =	dma.local @!p0 [hbm:s6], $0xF7A  }
0x23: {  	s9 =	sor.u32 $0xD0000000, s2;
	s6 =	simm.s32 $0x108;
	_ =	swait.ge @!p0 [sflag:s8], $0x0  }
0x24: {  	s3 =	sadd.s32 $0x88, s3;
	s6 =	simm.s32 @!p1 $0x1082;
	[sflag:s4] =	ssyncset.s32 $0xFFFFF086  }
0x25: {  	[simem:s6], [sflag:s4] =	dma.local [hbm:s3], $0xF7A  }
0x26: {  	[smem:$0x3F9E] =	sst s1;
	(tag) =	ssettag s2;
	_ =	strace s9  }
0x27: {  	s1 =	sld [smem:$0x3FAE]  }
0x28: {  	s2 =	sld [smem:$0x3FAF]  }
0x29: {  	s4 =	sld [smem:$0x3FB1]  }
0x2a: {  	p0 =	seq.s32 s5, $0x0;
	s5 =	sld [smem:$0x3FB2]  }
0x2b: {  	s6 =	sld [smem:$0x3FB3]  }
0x2c: {  	s7 =	sld [smem:$0x3FB4]  }
0x2d: {  	s3 =	simm.s32 $0x108;
	s8 =	sld [smem:$0x3FB5]  }
0x2e: {  	s3 =	simm.s32 @!p0 $0x1082;
	s9 =	sld [smem:$0x3FB6]  }
0x2f: {  	lr =	sadd.s32 s0, s3;
	s0 =	sld [smem:$0x3FAD]  }
0x30: {  	s3 =	sld [smem:$0x3FB0]  }
0x31: {  	[smem:$0x3FB9] =	sst s10  }
0x32: {  	s10 =	sld [smem:$0x3FB7];
	_ =	sdelay $0x3  }
0x33: {  	p0 =	seq.s32 s10, $0x1;
	s10 =	sld [smem:$0x3FB9];
	_ =	sdelay $0x3  }
0x34: {  	[smem:$0x3FB9] =	sst s10  }
0x35: {  	s10 =	sld [smem:$0x3FB8];
	_ =	sdelay $0x3  }
0x36: {  	p1 =	seq.s32 s10, $0x1;
	s10 =	sld [smem:$0x3FB9];
	_ =	sdelay $0x3  }
0x37: {  	[smem:$0x3FB9] =	sst s10  }
0x38: {  	s10 =	sld [smem:$0x3FBA]  }
0x39: {  	_ = 	snop;
	(pc) =	sbr.ind lr, $3  }
0x3a: {  	_ = 	snop  }
0x3b: {  	_ = 	snop  }
0x3c: {  	p2 =	seq.s32 s10, $0x1;
	s10 =	sld [smem:$0x3FB9]  }
0x3d: {  	_ =	shalt  }
0x3e: {  	_ =	shalt  }
0x3f: {  	_ =	shalt  }
0x40: {  	_ =	shalt  }
0x41: {  	_ =	shalt  }
0x42: {  	_ =	shalt  }
0x43: {  	_ =	shalt  }
0x44: {  	_ =	shalt  }
0x45: {  	_ =	shalt  }
0x46: {  	_ =	shalt  }
0x47: {  	_ =	shalt  }
0x48: {  	_ =	shalt  }
0x49: {  	_ =	shalt  }
0x4a: {  	_ =	shalt  }
0x4b: {  	_ =	shalt  }
0x4c: {  	_ =	shalt  }
0x4d: {  	_ =	shalt  }
0x4e: {  	_ =	shalt  }
0x4f: {  	_ =	shalt  }
0x50: {  	_ =	shalt  }
0x51: {  	_ =	shalt  }
0x52: {  	_ =	shalt  }
0x53: {  	_ =	shalt  }
0x54: {  	_ =	shalt  }
0x55: {  	_ =	shalt  }
0x56: {  	_ =	shalt  }
0x57: {  	_ =	shalt  }
0x58: {  	_ =	shalt  }
0x59: {  	_ =	shalt  }
0x5a: {  	_ =	shalt  }
0x5b: {  	_ =	shalt  }
0x5c: {  	_ =	shalt  }
0x5d: {  	_ =	shalt  }
0x5e: {  	_ =	shalt  }
0x5f: {  	_ =	shalt  }
0x60: {  	_ =	shalt  }
0x61: {  	_ =	shalt  }
0x62: {  	_ =	shalt  }
0x63: {  	_ =	shalt  }
0x64: {  	_ =	shalt  }
0x65: {  	_ =	shalt  }
0x66: {  	_ =	shalt  }
0x67: {  	_ =	shalt  }
0x68: {  	_ =	shalt  }
0x69: {  	_ =	shalt  }
0x6a: {  	_ =	shalt  }
0x6b: {  	_ =	shalt  }
0x6c: {  	_ =	shalt  }
0x6d: {  	_ =	shalt  }
0x6e: {  	_ =	shalt  }
0x6f: {  	_ =	shalt  }
0x70: {  	_ =	shalt  }
0x71: {  	_ =	shalt  }
0x72: {  	_ =	shalt  }
0x73: {  	_ =	shalt  }
0x74: {  	_ =	shalt  }
0x75: {  	_ =	shalt  }
0x76: {  	_ =	shalt  }
0x77: {  	_ =	shalt  }
0x78: {  	_ =	shalt  }
0x79: {  	_ =	shalt  }
0x7a: {  	_ =	shalt  }
0x7b: {  	_ =	shalt  }
0x7c: {  	_ =	shalt  }
0x7d: {  	_ =	shalt  }
0x7e: {  	_ =	shalt  }
0x7f: {  	_ =	shalt  }
0x80: {  	_ =	shalt  }
0x81: {  	_ =	shalt  }
0x82: {  	_ =	shalt  }
0x83: {  	_ =	shalt  }
0x84: {  	_ =	shalt  }
0x85: {  	_ =	shalt  }
0x86: {  	_ =	shalt  }
0x87: {  	_ =	shalt  }
.Lfunc_end0:
.L_simem_size_0:
called_computation.1_lowered:
.L_overlay_start_0:
0x88: {  	s2 =	sld [smem:$0x3FD9]  }
0x89: {  	s3 =	sld [smem:$0x3FFE];
	_ =	sdelay $0x1  }
0x8a: {  	s1 =	srdreg.scid  }
0x8b: {  	s0 =	sand.u32 $0x1, s1  }
0x8c: {  	s16 =	sshll.u32 s0, $0xA;
	s2 =	sadd.s32 s3, s2  }
0x8d: {  	s2 =	sadd.s32 s2, s16  }
0x8e: {  	[smem:$0x3FC5] =	sst s2  }
0x8f: {  	_ = 	snop  }
0x90: {  	(tm) =	ssettm $0x1  }
0x91: {  	s17 =	sld [smem:$0x3FFB];
	_ =	sdelay $0x3  }
0x92: {  	_ =	strace s17  }
0x93: {  	s2 =	sld [smem:$0x3FFC];
	_ =	sdelay $0x3  }
0x94: {  	_ =	strace s2  }
0x95: {  	s2 =	sld [smem:$0x3FFD];
	_ =	sdelay $0x3  }
0x96: {  	_ =	strace s2  }
0x97: {  	_ =	strace $0x8FFFFFFF  }
0x98: {  	s18 =	sld [smem:$0x3FDB];
	_ =	sdelay $0x1  }
0x99: {  	s19 =	simm.s32 $_scs_section_size  }
0x9a: {  	s4 =	simm.s32 $_size__tile_overlayer_lowered;
	s5 =	simm.s32 $_tile_overlayer_lowered  }
0x9b: {  	s22 =	simm.s32 $0x1BFF;
	s21 =	sshll.u32 s5, $0x1;
	s2 =	sadd.s32 s19, s18  }
0x9c: {  	s6 =	simm.s32 $0x0;
	s20 =	sshll.u32 s4, $0x1;
	s4 =	sadd.s32 s21, s2  }
0x9d: {  	[timem:s6], [sflag:s22] =	dma.local [hbm:s4], s20  }
0x9e: {  	_ =	swait.ge [sflag:s22], s20  }
0x9f: {  	s3 =	ssub.s32 $0x0, s20;
	[sflag:s22] =	ssyncset.done $0x0  }
0xa0: {  	[sflag:s22] =	ssyncadd.s32 s3;
	_ =	sdelay $0x1  }
0xa1: {  	s23 =	simm.s32 $0x1B8B  }
0xa2: {  	_ =	swait.ge [sflag:s23], $0x1  }
0xa3: {  	[sflag:s23] =	ssyncset.done $0x0  }
0xa4: {  	s25 =	simm.s32 $0x1B8E;
	s24 =	sld [smem:$0x3FFE];
	[sflag:s23] =	ssyncadd.s32 $0xFFFFFFFF  }
0xa5: {  	s26 =	simm.s32 $execute0_lowered;
	[smem:$0x3FD2] =	sst s25  }
0xa6: {  	s4 =	sshll.u32 s26, $0x1;
	_ =	strace $0x80000049;
	[dreg:$0x1] =	wrdreg $0xFFFFFFFF  }
0xa7: {  	s28 =	simm.s32 $_size_execute0_lowered;
	s2 =	sadd.s32 s2, s4;
	[dreg:$0x0] =	wrdreg $0x0  }
0xa8: {  	s4 =	sshll.u32 s28, $0x1;
	[dreg:$0x2] =	wrdreg s2  }
0xa9: {  	[dreg:$0x3] =	wrdreg s4  }
0xaa: {  	[dreg:$0x4] =	wrdreg $0xC0  }
0xab: {  	_ =	task [dreg:s6], $0x5FFFF  }
0xac: {  	[dreg:$0x1] =	wrdreg $0xFFFFFFFF  }
0xad: {  	[dreg:$0x0] =	wrdreg $0x60  }
0xae: {  	[dreg:$0x2] =	wrdreg s24  }
0xaf: {  	[dreg:$0x3] =	wrdreg $0x9  }
0xb0: {  	_ =	task.clear_ibuf [dreg:s6], $0x4FFFF;
	_ =	strace $0x90000049  }
0xb1: {  	s29 =	simm.s32 $0x9;
	_ =	strace $0x8000004B  }
0xb2: {  	_ =	swait.ge [sflag:s29], $0x1  }
0xb3: {  	[sflag:s29] =	ssyncadd.s32 $0xFFFFFFFF  }
0xb4: {  	_ =	strace $0x9000004B  }
0xb5: {  	_ =	sfence  }
0xb6: {  	s30 =	sld [smem:$0x0];
	_ =	sdelay $0x2  }
0xb7: {  	s31 =	sshll.u32 s1, $0xD;
	s1 =	sshrl.u32 s1, $0x2  }
0xb8: {  	s3 =	sand.u32 $0x4000, s31;
	s1 =	sadd.s32 s1, s30  }
0xb9: {  	s0 =	sor.u32 s3, s0;
	s1 =	sshll.u32 s1, $0x11  }
0xba: {  	s0 =	sor.u32 s1, s0  }
0xbb: {  	s0 =	sadd.s32 $0x8F2B, s0  }
0xbc: {  	[sflag:s0] =	ssyncadd.remote.s32 $0x1  }
0xbd: {  	_ =	sfence.sel $0xFFFF  }
0xbe: {  	[dreg:$0x0] =	wrdreg $0xFFFFFFFF;
	(pc) =	sbr.abs _section_cstart, $3  }
0xbf: {  	[dreg:$0x1] =	wrdreg $0xFFFFFFFF  }
0xc0: {  	_ =	task.clear_ibuf [dreg:s6], $0x2FFFF;
	_ =	strace $0x9FFFFFFF  }
0xc1: {  	(tm) =	ssettm $0x7FFFFFFF  }
tec
execute0_lowered:
.L_overlay_start_1:
0x0: {  	(tag) =	ssettag $0x1  }
0x1: {  	s4 =	rddreg [dreg:$0x0]  }
0x2: {  	s0 =	rddreg [dreg:$0x1];
	s2 =	simm.s32 $0x0;
	s3 =	srdreg.scid  }
0x3: {  	s1 =	stileid.u32;
	s10 =	simm.s32 $0x0;
	[smem:$0x7FF] =	sst s2  }
0x4: {  	s5 =	sand.u32 $0x1, s3;
	s6 =	sshll.u32 s1, $0xE;
	s3 =	sadd.s32 $0x489800, s4  }
0x5: {  	s8 =	sshll.u32 s1, $0x12;
	_ =	strace $0x8000004A;
	s7 =	sshll.u32 s5, $0xD  }
0x6: {  	s31 =	ssub.s32 $0x2, s5;
	s8 =	sadd.s32 s8, s4;
	s5 =	sshll.u32 s5, $0x11  }
0x7: {  	s6 =	sor.u32 s7, s6;
	s9 =	sshrl.u32 s31, $0x1;
	s5 =	sadd.s32 s5, s8  }
0x8: {  	s8 =	simm.s32 $0x80;
	s6 =	sshrl.u32 s6, $0x3;
	s7 =	ssub.s32 s31, s9  }
0x9: {  	s5 =	sadd.s32 $0x89800, s5;
	s9 =	simm.s32 $0x1;
	s6 =	sadd.s32 s6, s4  }
0xa: {  	s4 =	smax.u32 s7, $0x1;
	s7 =	simm.s32 $0x2;
	s6 =	sadd.s32 $0x81800, s6  }
.LBB2_1:
0xb: {  	s11 =	sadd.s32 $0x0, s6  }
0xc: {  	[tilespmem:s2], [sflag:$0x2] =	stream.linear.gather [hbm4b:s11+s2], $0x80, $0x38;
	[tilespmem:$0x4080] =	vst v63  }
0xd: {  	_ =	swait.ge [sflag:s7], $0x80  }
0xe: {  	[sflag:s7] =	ssyncset.done $0x0  }
0xf: {  	[sflag:s7] =	ssyncadd.s32 $0xFFFFFF80  }
0x10: {  	[tilespmem:s8], [sflag:$0x1] =	stream.indirect.gather [hbm4b:s3+s8], $0x80, s2, s8, $0xb8;
	[tilespmem:$0x4080] =	vst v63  }
0x11: {  	_ =	swait.ge [sflag:s9], $0x4000  }
0x12: {  	[sflag:s9] =	ssyncset.done $0x0  }
0x13: {  	[sflag:s9] =	ssyncadd.s32 $0xFFFFC000  }
0x14: {  	[hbm4b:s5+s2] =	stream.linear.scatter [tilespmem:s8], [sflag:$0x2], $0x4000, $0x38;
	[tilespmem:$0x4080] =	vst v63  }
0x15: {  	s12 =	simm.s32 $0x10;
	_ =	swait.ge [sflag:s7], $0x4000  }
0x16: {  	s13 =	simm.s32 $0x20;
	s11 =	sadd.s32 $0x800, s5;
	[sflag:s7] =	ssyncset.done $0x0  }
.LBB2_2:
0x17: {  	s14 =	sadd.s32 s12, s6  }
0x18: {  	[sflag:s7] =	ssyncadd.s32 $0xFFFFC000;
	s12 =	smov.u32 s13;
	s15 =	sadd.s32 $0x10, s13  }
0x19: {  	[tilespmem:s2], [sflag:$0x2] =	stream.linear.gather [hbm4b:s14+s2], $0x80, $0x38;
	[tilespmem:$0x4080] =	vst v63  }
0x1a: {  	p0 =	sne.s32 s13, $0x3F0;
	_ =	swait.ge [sflag:s7], $0x80  }
0x1b: {  	[sflag:s7] =	ssyncset.done $0x0  }
0x1c: {  	[sflag:s7] =	ssyncadd.s32 $0xFFFFFF80  }
0x1d: {  	[tilespmem:s8], [sflag:$0x1] =	stream.indirect.gather [hbm4b:s3+s8], $0x80, s2, s8, $0xb8;
	[tilespmem:$0x4080] =	vst v63  }
0x1e: {  	_ =	swait.ge [sflag:s9], $0x4000  }
.Ltmp0:
0x1f: {  	[sflag:s9] =	ssyncset.done $0x0;
	(pc) =	sbr.rel @p0 .LBB2_2-.Ltmp0, $4  }
0x20: {  	[sflag:s9] =	ssyncadd.s32 $0xFFFFC000  }
0x21: {  	[hbm4b:s11+s2] =	stream.linear.scatter [tilespmem:s8], [sflag:$0x2], $0x4000, $0x38;
	[tilespmem:$0x4080] =	vst v63  }
0x22: {  	_ =	swait.ge [sflag:s7], $0x4000  }
0x23: {  	s13 =	smov.u32 s15;
	s11 =	sadd.s32 $0x800, s11;
	[sflag:s7] =	ssyncset.done $0x0  }
0x24: {  	s12 =	sadd.s32 s12, s6;
	[sflag:s7] =	ssyncadd.s32 $0xFFFFC000  }
0x25: {  	[tilespmem:s2], [sflag:$0x2] =	stream.linear.gather [hbm4b:s12+s2], $0x80, $0x38;
	[tilespmem:$0x4080] =	vst v63  }
0x26: {  	_ =	swait.ge [sflag:s7], $0x80  }
0x27: {  	[sflag:s7] =	ssyncset.done $0x0  }
0x28: {  	[sflag:s7] =	ssyncadd.s32 $0xFFFFFF80  }
0x29: {  	[tilespmem:s8], [sflag:$0x1] =	stream.indirect.gather [hbm4b:s3+s8], $0x80, s2, s8, $0xb8;
	[tilespmem:$0x4080] =	vst v63  }
0x2a: {  	s10 =	sadd.s32 $0x1, s10;
	_ =	swait.ge [sflag:s9], $0x4000  }
0x2b: {  	p0 =	sne.s32 s10, s4;
	[sflag:s9] =	ssyncset.done $0x0  }
.Ltmp1:
0x2c: {  	[sflag:s9] =	ssyncadd.s32 $0xFFFFC000;
	(pc) =	sbr.rel @p0 .LBB2_1-.Ltmp1, $4  }
0x2d: {  	[hbm4b:s11+s2] =	stream.linear.scatter [tilespmem:s8], [sflag:$0x2], $0x4000, $0x38;
	[tilespmem:$0x4080] =	vst v63  }
0x2e: {  	_ =	swait.ge [sflag:s7], $0x4000  }
0x2f: {  	[sflag:s7] =	ssyncset.done $0x0  }
0x30: {  	[sflag:s7] =	ssyncadd.s32 $0xFFFFC000  }
0x31: {  	_ =	sfence.sel $0x180000  }
0x32: {  	[bflag:$0x0] =	sbarrier.arrive $0xFFFF  }
0x33: {  	p0 =	sne.s32 s1, $0x0;
	_ =	strace $0x9000004A  }
0x34: {  	s0 =	sadd.s32 @!p0 $0x100000, s0;
	[bflag:$0x2] =	sbarrier.arrive $0xFFFF  }
0x35: {  	[sflag:s0] =	ssyncadd.tile.s32 @!p0 $0x1;
	_ =	shalt  }
.Lfunc_end2:
_tile_overlayer_lowered:
.L_overlay_start_2:
0x36: {  	(tag) =	ssettag $0x2  }
0x37: {  	s0 =	rddreg [dreg:$0x0];
	s2 =	stileid.u32  }
0x38: {  	s1 =	rddreg [dreg:$0x1];
	p0 =	sne.s32 s2, $0x0  }
0x39: {  	s3 =	rddreg [dreg:$0x2];
	[bflag:$0x3] =	sbarrier.arrive $0xFFFF;
	s2 =	simm.s32 @!p0 $0x1C02  }
0x3a: {  	[timem:s3], [sflag:s2] =	dma.local @!p0 [hbm:s0], s1  }
0x3b: {  	s0 =	simm.s32 @!p0 $0x2  }
0x3c: {  	_ =	swait.ge @!p0 [sflag:s0], s1  }
0x3d: {  	s1 =	ssub.s32 @!p0 $0x0, s1;
	[sflag:s0] =	ssyncset.done @!p0 $0x0  }
0x3e: {  	[sflag:s0] =	ssyncadd.s32 @!p0 s1  }
0x3f: {  	[bflag:$0x3] =	sbarrier.arrive $0xFFFF  }
0x40: {  	_ =	shalt  }

// kernel: kernel.7.cloned.1.call-start
scs
__scs_entry_jumppad:
0x0: {  	(pc) =	sbr.rel $0x88, $3  }
0x1: {  	(tag) =	ssettag $0x0;
	lr =	simm.s32 $0x1  }
0x2: {  	[smem:$0x3F9E] =	sst lr;
	_ =	strace $0xD0000000  }
0x3: {  	_ = 	snop  }
0x4: {  	_ = 	snop  }
0x5: {  	_ = 	snop  }
0x6: {  	_ = 	snop  }
0x7: {  	_ = 	snop  }
__scs_overlays_trampoline_lowered:
0x8: {  	[smem:$0x3FAD] =	sst s0  }
0x9: {  	[smem:$0x3FAE] =	sst s1  }
0xa: {  	[smem:$0x3FAF] =	sst s2  }
0xb: {  	[smem:$0x3FB0] =	sst s3  }
0xc: {  	[smem:$0x3FB1] =	sst s4  }
0xd: {  	[smem:$0x3FB2] =	sst s5  }
0xe: {  	[smem:$0x3FB3] =	sst s6  }
0xf: {  	[smem:$0x3FB4] =	sst s7  }
0x10: {  	[smem:$0x3FB5] =	sst s8  }
0x11: {  	[smem:$0x3FB6] =	sst s9;
	s0 =	simm.s32 @!p0 $0x0  }
0x12: {  	s1 =	sld [smem:$0x3F9C];
	s0 =	simm.s32 @p0 $0x1  }
0x13: {  	[smem:$0x3FB7] =	sst s0;
	s0 =	simm.s32 @!p1 $0x0  }
0x14: {  	s2 =	sld [smem:$0x3F9B];
	s0 =	simm.s32 @p1 $0x1  }
0x15: {  	[smem:$0x3FB8] =	sst s0;
	s0 =	simm.s32 @!p2 $0x0  }
0x16: {  	s3 =	sld [smem:$0x3FDB];
	s0 =	simm.s32 @p2 $0x1  }
0x17: {  	s4 =	simm.s32 $0x1BF5;
	[smem:$0x3FBA] =	sst s0  }
0x18: {  	s0 =	sld [smem:$0x3F9D];
	_ =	swait.ge [sflag:s4], $0x0  }
0x19: {  	s7 =	sld [smem:$0x3F9E]  }
0x1a: {  	s8 =	sadd.s32 $0xFFFFE003, lr  }
0x1b: {  	s9 =	sadd.s32 $0xFFFFFEF7, lr;
	s5 =	simm.s32 $0xFFFFFFFF;
	p2 =	slt.u32 s8, $0xFFFFF086  }
0x1c: {  	p1 =	slt.u32 s9, $0xF7A;
	s5 =	simm.s32 @!p2 $0x0  }
0x1d: {  	s5 =	simm.s32 @p1 $0x1;
	p0 =	seq.s32 s7, s2  }
0x1e: {  	s7 =	smul.u32 @!p0 $0xF7A, s2;
	p2 =	seq.s32 @!p0 s5, $0x0  }
0x1f: {  	s9 =	smul.u32 $0xF7A, s1;
	s8 =	simm.s32 @!p0 $0x1BF5;
	p2 =	por !p2, p0  }
0x20: {  	[sflag:s8] =	ssyncset.s32 @!p0 $0xFFFFF086;
	s6 =	sadd.s32 @!p0 s3, s7;
	s7 =	simm.s32 @!p0 $0x108  }
0x21: {  	s3 =	sadd.s32 s3, s9;
	s6 =	sadd.s32 @!p0 $0x88, s6;
	s7 =	simm.s32 @p2 $0x1082  }
0x22: {  	[simem:s7], [sflag:s8] =	dma.local @!p0 [hbm:s6], $0xF7A  }
0x23: {  	s9 =	sor.u32 $0xD0000000, s2;
	s6 =	simm.s32 $0x108;
	_ =	swait.ge @!p0 [sflag:s8], $0x0  }
0x24: {  	s3 =	sadd.s32 $0x88, s3;
	s6 =	simm.s32 @!p1 $0x1082;
	[sflag:s4] =	ssyncset.s32 $0xFFFFF086  }
0x25: {  	[simem:s6], [sflag:s4] =	dma.local [hbm:s3], $0xF7A  }
0x26: {  	[smem:$0x3F9E] =	sst s1;
	(tag) =	ssettag s2;
	_ =	strace s9  }
0x27: {  	s1 =	sld [smem:$0x3FAE]  }
0x28: {  	s2 =	sld [smem:$0x3FAF]  }
0x29: {  	s4 =	sld [smem:$0x3FB1]  }
0x2a: {  	p0 =	seq.s32 s5, $0x0;
	s5 =	sld [smem:$0x3FB2]  }
0x2b: {  	s6 =	sld [smem:$0x3FB3]  }
0x2c: {  	s7 =	sld [smem:$0x3FB4]  }
0x2d: {  	s3 =	simm.s32 $0x108;
	s8 =	sld [smem:$0x3FB5]  }
0x2e: {  	s3 =	simm.s32 @!p0 $0x1082;
	s9 =	sld [smem:$0x3FB6]  }
0x2f: {  	lr =	sadd.s32 s0, s3;
	s0 =	sld [smem:$0x3FAD]  }
0x30: {  	s3 =	sld [smem:$0x3FB0]  }
0x31: {  	[smem:$0x3FB9] =	sst s10  }
0x32: {  	s10 =	sld [smem:$0x3FB7];
	_ =	sdelay $0x3  }
0x33: {  	p0 =	seq.s32 s10, $0x1;
	s10 =	sld [smem:$0x3FB9];
	_ =	sdelay $0x3  }
0x34: {  	[smem:$0x3FB9] =	sst s10  }
0x35: {  	s10 =	sld [smem:$0x3FB8];
	_ =	sdelay $0x3  }
0x36: {  	p1 =	seq.s32 s10, $0x1;
	s10 =	sld [smem:$0x3FB9];
	_ =	sdelay $0x3  }
0x37: {  	[smem:$0x3FB9] =	sst s10  }
0x38: {  	s10 =	sld [smem:$0x3FBA]  }
0x39: {  	_ = 	snop;
	(pc) =	sbr.ind lr, $3  }
0x3a: {  	_ = 	snop  }
0x3b: {  	_ = 	snop  }
0x3c: {  	p2 =	seq.s32 s10, $0x1;
	s10 =	sld [smem:$0x3FB9]  }
0x3d: {  	_ =	shalt  }
0x3e: {  	_ =	shalt  }
0x3f: {  	_ =	shalt  }
0x40: {  	_ =	shalt  }
0x41: {  	_ =	shalt  }
0x42: {  	_ =	shalt  }
0x43: {  	_ =	shalt  }
0x44: {  	_ =	shalt  }
0x45: {  	_ =	shalt  }
0x46: {  	_ =	shalt  }
0x47: {  	_ =	shalt  }
0x48: {  	_ =	shalt  }
0x49: {  	_ =	shalt  }
0x4a: {  	_ =	shalt  }
0x4b: {  	_ =	shalt  }
0x4c: {  	_ =	shalt  }
0x4d: {  	_ =	shalt  }
0x4e: {  	_ =	shalt  }
0x4f: {  	_ =	shalt  }
0x50: {  	_ =	shalt  }
0x51: {  	_ =	shalt  }
0x52: {  	_ =	shalt  }
0x53: {  	_ =	shalt  }
0x54: {  	_ =	shalt  }
0x55: {  	_ =	shalt  }
0x56: {  	_ =	shalt  }
0x57: {  	_ =	shalt  }
0x58: {  	_ =	shalt  }
0x59: {  	_ =	shalt  }
0x5a: {  	_ =	shalt  }
0x5b: {  	_ =	shalt  }
0x5c: {  	_ =	shalt  }
0x5d: {  	_ =	shalt  }
0x5e: {  	_ =	shalt  }
0x5f: {  	_ =	shalt  }
0x60: {  	_ =	shalt  }
0x61: {  	_ =	shalt  }
0x62: {  	_ =	shalt  }
0x63: {  	_ =	shalt  }
0x64: {  	_ =	shalt  }
0x65: {  	_ =	shalt  }
0x66: {  	_ =	shalt  }
0x67: {  	_ =	shalt  }
0x68: {  	_ =	shalt  }
0x69: {  	_ =	shalt  }
0x6a: {  	_ =	shalt  }
0x6b: {  	_ =	shalt  }
0x6c: {  	_ =	shalt  }
0x6d: {  	_ =	shalt  }
0x6e: {  	_ =	shalt  }
0x6f: {  	_ =	shalt  }
0x70: {  	_ =	shalt  }
0x71: {  	_ =	shalt  }
0x72: {  	_ =	shalt  }
0x73: {  	_ =	shalt  }
0x74: {  	_ =	shalt  }
0x75: {  	_ =	shalt  }
0x76: {  	_ =	shalt  }
0x77: {  	_ =	shalt  }
0x78: {  	_ =	shalt  }
0x79: {  	_ =	shalt  }
0x7a: {  	_ =	shalt  }
0x7b: {  	_ =	shalt  }
0x7c: {  	_ =	shalt  }
0x7d: {  	_ =	shalt  }
0x7e: {  	_ =	shalt  }
0x7f: {  	_ =	shalt  }
0x80: {  	_ =	shalt  }
0x81: {  	_ =	shalt  }
0x82: {  	_ =	shalt  }
0x83: {  	_ =	shalt  }
0x84: {  	_ =	shalt  }
0x85: {  	_ =	shalt  }
0x86: {  	_ =	shalt  }
0x87: {  	_ =	shalt  }
.Lfunc_end0:
.L_simem_size_0:
called_computation_lowered:
.L_overlay_start_0:
0x88: {  	s2 =	sld [smem:$0x3FD9]  }
0x89: {  	s3 =	sld [smem:$0x3FFE];
	_ =	sdelay $0x1  }
0x8a: {  	s1 =	srdreg.scid  }
0x8b: {  	s0 =	sand.u32 $0x1, s1  }
0x8c: {  	s16 =	sshll.u32 s0, $0xA;
	s2 =	sadd.s32 s3, s2  }
0x8d: {  	s2 =	sadd.s32 s2, s16  }
0x8e: {  	[smem:$0x3FC5] =	sst s2  }
0x8f: {  	_ = 	snop  }
0x90: {  	(tm) =	ssettm $0x1  }
0x91: {  	s17 =	sld [smem:$0x3FFB];
	_ =	sdelay $0x3  }
0x92: {  	_ =	strace s17  }
0x93: {  	s2 =	sld [smem:$0x3FFC];
	_ =	sdelay $0x3  }
0x94: {  	_ =	strace s2  }
0x95: {  	s2 =	sld [smem:$0x3FFD];
	_ =	sdelay $0x3  }
0x96: {  	_ =	strace s2  }
0x97: {  	_ =	strace $0x8FFFFFFF  }
0x98: {  	s18 =	sld [smem:$0x3FDB];
	_ =	sdelay $0x1  }
0x99: {  	s19 =	simm.s32 $_scs_section_size  }
0x9a: {  	s4 =	simm.s32 $_size__tile_overlayer_lowered;
	s5 =	simm.s32 $_tile_overlayer_lowered  }
0x9b: {  	s22 =	simm.s32 $0x1BFF;
	s21 =	sshll.u32 s5, $0x1;
	s2 =	sadd.s32 s19, s18  }
0x9c: {  	s6 =	simm.s32 $0x0;
	s20 =	sshll.u32 s4, $0x1;
	s4 =	sadd.s32 s21, s2  }
0x9d: {  	[timem:s6], [sflag:s22] =	dma.local [hbm:s4], s20  }
0x9e: {  	_ =	swait.ge [sflag:s22], s20  }
0x9f: {  	s3 =	ssub.s32 $0x0, s20;
	[sflag:s22] =	ssyncset.done $0x0  }
0xa0: {  	[sflag:s22] =	ssyncadd.s32 s3;
	_ =	sdelay $0x1  }
0xa1: {  	s23 =	simm.s32 $0x1B8B  }
0xa2: {  	_ =	swait.ge [sflag:s23], $0x1  }
0xa3: {  	[sflag:s23] =	ssyncset.done $0x0  }
0xa4: {  	s25 =	simm.s32 $0x1B8E;
	s24 =	sld [smem:$0x3FFE];
	[sflag:s23] =	ssyncadd.s32 $0xFFFFFFFF  }
0xa5: {  	s26 =	simm.s32 $execute0_lowered;
	[smem:$0x3FD2] =	sst s25  }
0xa6: {  	s4 =	sshll.u32 s26, $0x1;
	_ =	strace $0x80000046;
	[dreg:$0x1] =	wrdreg $0xFFFFFFFF  }
0xa7: {  	s28 =	simm.s32 $_size_execute0_lowered;
	s2 =	sadd.s32 s2, s4;
	[dreg:$0x0] =	wrdreg $0x0  }
0xa8: {  	s4 =	sshll.u32 s28, $0x1;
	[dreg:$0x2] =	wrdreg s2  }
0xa9: {  	[dreg:$0x3] =	wrdreg s4  }
0xaa: {  	[dreg:$0x4] =	wrdreg $0xC0  }
0xab: {  	_ =	task [dreg:s6], $0x5FFFF  }
0xac: {  	[dreg:$0x1] =	wrdreg $0xFFFFFFFF  }
0xad: {  	[dreg:$0x0] =	wrdreg $0x60  }
0xae: {  	[dreg:$0x2] =	wrdreg s24  }
0xaf: {  	[dreg:$0x3] =	wrdreg $0x9  }
0xb0: {  	_ =	task.clear_ibuf [dreg:s6], $0x4FFFF;
	_ =	strace $0x90000046  }
0xb1: {  	s29 =	simm.s32 $0x9;
	_ =	strace $0x80000048  }
0xb2: {  	_ =	swait.ge [sflag:s29], $0x1  }
0xb3: {  	[sflag:s29] =	ssyncadd.s32 $0xFFFFFFFF  }
0xb4: {  	_ =	strace $0x90000048  }
0xb5: {  	_ =	sfence  }
0xb6: {  	s30 =	sld [smem:$0x0];
	_ =	sdelay $0x2  }
0xb7: {  	s31 =	sshll.u32 s1, $0xD;
	s1 =	sshrl.u32 s1, $0x2  }
0xb8: {  	s3 =	sand.u32 $0x4000, s31;
	s1 =	sadd.s32 s1, s30  }
0xb9: {  	s0 =	sor.u32 s3, s0;
	s1 =	sshll.u32 s1, $0x11  }
0xba: {  	s0 =	sor.u32 s1, s0  }
0xbb: {  	s0 =	sadd.s32 $0x8F2B, s0  }
0xbc: {  	[sflag:s0] =	ssyncadd.remote.s32 $0x1  }
0xbd: {  	_ =	sfence.sel $0xFFFF  }
0xbe: {  	[dreg:$0x0] =	wrdreg $0xFFFFFFFF;
	(pc) =	sbr.abs _section_cstart, $3  }
0xbf: {  	[dreg:$0x1] =	wrdreg $0xFFFFFFFF  }
0xc0: {  	_ =	task.clear_ibuf [dreg:s6], $0x2FFFF;
	_ =	strace $0x9FFFFFFF  }
0xc1: {  	(tm) =	ssettm $0x7FFFFFFF  }
tec
execute0_lowered:
.L_overlay_start_1:
0x0: {  	(tag) =	ssettag $0x1  }
0x1: {  	s3 =	rddreg [dreg:$0x0]  }
0x2: {  	s0 =	rddreg [dreg:$0x1];
	s2 =	simm.s32 $0x0;
	s1 =	stileid.u32  }
0x3: {  	s4 =	srdreg.scid;
	s7 =	simm.s32 $0x1;
	s12 =	simm.s32 $0x2  }
0x4: {  	s13 =	simm.s32 $0x80;
	s5 =	sand.u32 $0x1, s4;
	s30 =	sshll.u32 s1, $0x1  }
0x5: {  	s14 =	simm.s32 $0x0;
	[smem:$0x7FF] =	sst s2;
	s4 =	sor.u32 s5, s30  }
0x6: {  	s6 =	sshll.u32 s1, $0xB;
	p1 =	seq.s32 s5, $0x1;
	p0 =	seq.s32 s4, $0x0  }
0x7: {  	s8 =	sadd.s32 $0x1800, s3;
	s10 =	sshll.u32 s1, $0xF;
	p0 =	por !p0, !p1  }
0x8: {  	_ =	strace $0x80000047;
	s6 =	sadd.s32 s6, s3;
	p0 =	por !p0, !p0  }
0x9: {  	s31 =	ssub.s32 $0x2, s5;
	s3 =	sadd.s32 $0x89800, s3;
	s7 =	simm.s32 @!p0 $0x0  }
0xa: {  	s11 =	sshll.u32 s5, $0xA;
	s9 =	sshrl.u32 s31, $0x1;
	s7 =	ssub.s32 s1, s7  }
0xb: {  	s4 =	simm.s32 $0x1;
	s9 =	ssub.s32 s31, s9;
	s7 =	sshll.u32 s7, $0xF  }
0xc: {  	s11 =	sadd.s32 s11, s6;
	s5 =	smax.u32 s9, $0x1;
	s7 =	sand.u32 $0x1FFF8000, s7  }
0xd: {  	s9 =	sadd.s32 $0x81900, s11;
	s6 =	sadd.s32 s7, s8;
	s7 =	sadd.s32 $0x81800, s11  }
0xe: {  	s8 =	sadd.s32 s10, s8;
	s10 =	sadd.s32 $0x81A00, s11;
	s11 =	sadd.s32 $0x81B00, s11  }
.LBB2_1:
0xf: {  	s15 =	sadd.s32 $0x0, s7  }
0x10: {  	[tilespmem:s2], [sflag:$0x2] =	stream.linear.gather [hbm4b:s15+s2], $0x80, $0x38;
	[tilespmem:$0x4080] =	vst v63  }
0x11: {  	_ =	swait.ge [sflag:s12], $0x80  }
0x12: {  	[sflag:s12] =	ssyncset.done $0x0  }
0x13: {  	[sflag:s12] =	ssyncadd.s32 $0xFFFFFF80  }
0x14: {  	[tilespmem:s13], [sflag:$0x2] =	stream.linear.gather [hbm4b:s6+s2], $0x4000, $0x38;
	[tilespmem:$0x4080] =	vst v63  }
0x15: {  	_ =	swait.ge [sflag:s12], $0x4000  }
0x16: {  	[sflag:s12] =	ssyncset.done $0x0  }
0x17: {  	[sflag:s12] =	ssyncadd.s32 $0xFFFFC000  }
0x18: {  	[hbm4b:s3+s13] =	stream.indirect.scatter [tilespmem:s13], [sflag:$0x1], $0x80, s2, s13, $0xb8;
	[tilespmem:$0x4080] =	vst v63  }
0x19: {  	s18 =	sadd.s32 $0x10, s7;
	_ =	swait.ge [sflag:s4], $0x4000  }
0x1a: {  	s17 =	simm.s32 $0x20;
	s16 =	sadd.s32 $0x800, s6;
	[sflag:s4] =	ssyncset.done $0x0  }
.LBB2_2:
0x1b: {  	s19 =	sadd.s32 s17, s7;
	s15 =	simm.s32 $0x0;
	[sflag:s4] =	ssyncadd.s32 $0xFFFFC000  }
0x1c: {  	[tilespmem:s15], [sflag:$0x2] =	stream.linear.gather [hbm4b:s18+s15], $0x80, $0x38;
	[tilespmem:$0x4080] =	vst v63  }
0x1d: {  	p0 =	sne.s32 s17, $0xF0;
	s17 =	sadd.s32 $0x10, s17;
	_ =	swait.ge [sflag:s12], $0x80  }
0x1e: {  	s18 =	smov.u32 s19;
	[sflag:s12] =	ssyncset.done $0x0  }
0x1f: {  	[sflag:s12] =	ssyncadd.s32 $0xFFFFFF80  }
0x20: {  	[tilespmem:s13], [sflag:$0x2] =	stream.linear.gather [hbm4b:s16+s15], $0x4000, $0x38;
	[tilespmem:$0x4080] =	vst v63  }
0x21: {  	_ =	swait.ge [sflag:s12], $0x4000  }
.Ltmp0:
0x22: {  	[sflag:s12] =	ssyncset.done $0x0;
	(pc) =	sbr.rel @p0 .LBB2_2-.Ltmp0, $4  }
0x23: {  	[sflag:s12] =	ssyncadd.s32 $0xFFFFC000  }
0x24: {  	[hbm4b:s3+s13] =	stream.indirect.scatter [tilespmem:s13], [sflag:$0x1], $0x80, s15, s13, $0xb8;
	[tilespmem:$0x4080] =	vst v63  }
0x25: {  	_ =	swait.ge [sflag:s4], $0x4000  }
0x26: {  	s16 =	sadd.s32 $0x800, s16;
	[sflag:s4] =	ssyncset.done $0x0  }
0x27: {  	[sflag:s4] =	ssyncadd.s32 $0xFFFFC000  }
0x28: {  	[tilespmem:s15], [sflag:$0x2] =	stream.linear.gather [hbm4b:s18+s15], $0x80, $0x38;
	[tilespmem:$0x4080] =	vst v63  }
0x29: {  	_ =	swait.ge [sflag:s12], $0x80  }
0x2a: {  	[sflag:s12] =	ssyncset.done $0x0  }
0x2b: {  	[sflag:s12] =	ssyncadd.s32 $0xFFFFFF80  }
0x2c: {  	[tilespmem:s13], [sflag:$0x2] =	stream.linear.gather [hbm4b:s16+s15], $0x4000, $0x38;
	[tilespmem:$0x4080] =	vst v63  }
0x2d: {  	_ =	swait.ge [sflag:s12], $0x4000  }
0x2e: {  	p1 =	por $0x1, $0x1;
	[sflag:s12] =	ssyncset.done $0x0  }
.Ltmp1:
0x2f: {  	[sflag:s12] =	ssyncadd.s32 $0xFFFFC000;
	(pc) =	sbr.rel @!p1 .LBB2_8-.Ltmp1, $4  }
0x30: {  	[hbm4b:s3+s13] =	stream.indirect.scatter [tilespmem:s13], [sflag:$0x1], $0x80, s15, s13, $0xb8;
	[tilespmem:$0x4080] =	vst v63  }
0x31: {  	p0 =	por $0x0, $0x0;
	_ =	swait.ge [sflag:s4], $0x4000  }
0x32: {  	s17 =	smov.u32 s8;
	p2 =	por $0x0, $0x0;
	[sflag:s4] =	ssyncset.done $0x0  }
0x33: {  	s18 =	simm.s32 $0x0;
	s16 =	simm.s32 $0x10;
	[sflag:s4] =	ssyncadd.s32 $0xFFFFC000  }
0x34: {  	s17 =	sadd.s32 $0x0, s9  }
0x35: {  	[tilespmem:s15], [sflag:$0x2] =	stream.linear.gather [hbm4b:s17+s15], $0x80, $0x38;
	[tilespmem:$0x4080] =	vst v63  }
0x36: {  	_ =	swait.ge [sflag:s12], $0x80  }
0x37: {  	[sflag:s12] =	ssyncset.done $0x0  }
0x38: {  	[sflag:s12] =	ssyncadd.s32 $0xFFFFFF80  }
0x39: {  	[tilespmem:s13], [sflag:$0x2] =	stream.linear.gather [hbm4b:s8+s15], $0x4000, $0x38;
	[tilespmem:$0x4080] =	vst v63  }
0x3a: {  	p3 =	por $0x1, $0x1;
	_ =	swait.ge [sflag:s12], $0x4000  }
.Ltmp2:
0x3b: {  	[sflag:s12] =	ssyncset.done $0x0;
	(pc) =	sbr.rel @!p3 .LBB2_5-.Ltmp2, $4  }
0x3c: {  	[sflag:s12] =	ssyncadd.s32 $0xFFFFC000  }
0x3d: {  	[hbm4b:s3+s13] =	stream.indirect.scatter [tilespmem:s13], [sflag:$0x1], $0x80, s15, s13, $0xb8;
	[tilespmem:$0x4080] =	vst v63  }
0x3e: {  	s18 =	simm.s32 $0x20;
	_ =	swait.ge [sflag:s4], $0x4000  }
0x3f: {  	p2 =	por $0x1, $0x1;
	s17 =	sadd.s32 $0x800, s8;
	[sflag:s4] =	ssyncset.done $0x0  }
.LBB2_6:
0x40: {  	s19 =	sadd.s32 s16, s9  }
0x41: {  	[sflag:s4] =	ssyncadd.s32 $0xFFFFC000;
	s16 =	smov.u32 s18;
	s20 =	sadd.s32 $0x10, s18  }
0x42: {  	[tilespmem:s15], [sflag:$0x2] =	stream.linear.gather [hbm4b:s19+s15], $0x80, $0x38;
	[tilespmem:$0x4080] =	vst v63  }
0x43: {  	p3 =	sne.s32 s18, $0xF0;
	_ =	swait.ge [sflag:s12], $0x80  }
0x44: {  	[sflag:s12] =	ssyncset.done $0x0  }
0x45: {  	[sflag:s12] =	ssyncadd.s32 $0xFFFFFF80  }
0x46: {  	[tilespmem:s13], [sflag:$0x2] =	stream.linear.gather [hbm4b:s17+s15], $0x4000, $0x38;
	[tilespmem:$0x4080] =	vst v63  }
0x47: {  	_ =	swait.ge [sflag:s12], $0x4000  }
.Ltmp3:
0x48: {  	[sflag:s12] =	ssyncset.done $0x0;
	(pc) =	sbr.rel @p3 .LBB2_6-.Ltmp3, $4  }
0x49: {  	[sflag:s12] =	ssyncadd.s32 $0xFFFFC000  }
0x4a: {  	[hbm4b:s3+s13] =	stream.indirect.scatter [tilespmem:s13], [sflag:$0x1], $0x80, s15, s13, $0xb8;
	[tilespmem:$0x4080] =	vst v63  }
0x4b: {  	_ =	swait.ge [sflag:s4], $0x4000  }
0x4c: {  	s18 =	smov.u32 s20;
	s17 =	sadd.s32 $0x800, s17;
	[sflag:s4] =	ssyncset.done $0x0  }
0x4d: {  	s18 =	smov.u32 s16  }
.LBB2_8:
0x4e: {  	s16 =	sadd.s32 s18, s9;
	[sflag:s4] =	ssyncadd.s32 @p2 $0xFFFFC000  }
0x4f: {  	[tilespmem:s15], [sflag:$0x2] =	stream.linear.gather [hbm4b:s16+s15], $0x80, $0x38;
	[tilespmem:$0x4080] =	vst v63  }
0x50: {  	_ =	swait.ge [sflag:s12], $0x80  }
0x51: {  	[sflag:s12] =	ssyncset.done $0x0  }
0x52: {  	[sflag:s12] =	ssyncadd.s32 $0xFFFFFF80  }
0x53: {  	[tilespmem:s13], [sflag:$0x2] =	stream.linear.gather [hbm4b:s17+s15], $0x4000, $0x38;
	[tilespmem:$0x4080] =	vst v63  }
0x54: {  	_ =	swait.ge [sflag:s12], $0x4000  }
0x55: {  	[sflag:s12] =	ssyncset.done $0x0  }
.Ltmp4:
0x56: {  	[sflag:s12] =	ssyncadd.s32 $0xFFFFC000;
	(pc) =	sbr.rel @!p1 .LBB2_9-.Ltmp4, $4  }
0x57: {  	[hbm4b:s3+s13] =	stream.indirect.scatter [tilespmem:s13], [sflag:$0x1], $0x80, s15, s13, $0xb8;
	[tilespmem:$0x4080] =	vst v63  }
0x58: {  	_ =	swait.ge [sflag:s4], $0x4000  }
0x59: {  	[sflag:s4] =	ssyncset.done $0x0  }
0x5a: {  	s18 =	sadd.s32 $0x0, s10;
	[sflag:s4] =	ssyncadd.s32 $0xFFFFC000  }
0x5b: {  	s15 =	simm.s32 $0x0  }
0x5c: {  	[tilespmem:s15], [sflag:$0x2] =	stream.linear.gather [hbm4b:s18+s15], $0x80, $0x38;
	[tilespmem:$0x4080] =	vst v63  }
0x5d: {  	_ =	swait.ge [sflag:s12], $0x80  }
0x5e: {  	[sflag:s12] =	ssyncset.done $0x0  }
0x5f: {  	[sflag:s12] =	ssyncadd.s32 $0xFFFFFF80  }
0x60: {  	[tilespmem:s13], [sflag:$0x2] =	stream.linear.gather [hbm4b:s8+s15], $0x4000, $0x38;
	[tilespmem:$0x4080] =	vst v63  }
0x61: {  	p1 =	por $0x1, $0x1;
	_ =	swait.ge [sflag:s12], $0x4000  }
.Ltmp5:
0x62: {  	[sflag:s12] =	ssyncset.done $0x0;
	(pc) =	sbr.rel @!p1 .LBB2_12-.Ltmp5, $4  }
0x63: {  	[sflag:s12] =	ssyncadd.s32 $0xFFFFC000  }
0x64: {  	[hbm4b:s3+s13] =	stream.indirect.scatter [tilespmem:s13], [sflag:$0x1], $0x80, s15, s13, $0xb8;
	[tilespmem:$0x4080] =	vst v63  }
0x65: {  	s17 =	simm.s32 $0x20;
	s16 =	sadd.s32 $0x800, s8;
	_ =	swait.ge [sflag:s4], $0x4000  }
0x66: {  	p0 =	por $0x1, $0x1;
	s18 =	sadd.s32 $0x10, s10;
	[sflag:s4] =	ssyncset.done $0x0  }
.LBB2_11:
0x67: {  	s19 =	sadd.s32 s17, s10;
	[sflag:s4] =	ssyncadd.s32 $0xFFFFC000  }
0x68: {  	[tilespmem:s15], [sflag:$0x2] =	stream.linear.gather [hbm4b:s18+s15], $0x80, $0x38;
	[tilespmem:$0x4080] =	vst v63  }
0x69: {  	p1 =	sne.s32 s17, $0xF0;
	s17 =	sadd.s32 $0x10, s17;
	_ =	swait.ge [sflag:s12], $0x80  }
0x6a: {  	s18 =	smov.u32 s19;
	[sflag:s12] =	ssyncset.done $0x0  }
0x6b: {  	[sflag:s12] =	ssyncadd.s32 $0xFFFFFF80  }
0x6c: {  	[tilespmem:s13], [sflag:$0x2] =	stream.linear.gather [hbm4b:s16+s15], $0x4000, $0x38;
	[tilespmem:$0x4080] =	vst v63  }
0x6d: {  	_ =	swait.ge [sflag:s12], $0x4000  }
.Ltmp6:
0x6e: {  	[sflag:s12] =	ssyncset.done $0x0;
	(pc) =	sbr.rel @p1 .LBB2_11-.Ltmp6, $4  }
0x6f: {  	[sflag:s12] =	ssyncadd.s32 $0xFFFFC000  }
0x70: {  	[hbm4b:s3+s13] =	stream.indirect.scatter [tilespmem:s13], [sflag:$0x1], $0x80, s15, s13, $0xb8;
	[tilespmem:$0x4080] =	vst v63  }
0x71: {  	_ =	swait.ge [sflag:s4], $0x4000  }
0x72: {  	s16 =	sadd.s32 $0x800, s16;
	[sflag:s4] =	ssyncset.done $0x0  }
.LBB2_12:
0x73: {  	s17 =	simm.s32 $0x0;
	[sflag:s4] =	ssyncadd.s32 @p0 $0xFFFFC000  }
0x74: {  	[tilespmem:s17], [sflag:$0x2] =	stream.linear.gather [hbm4b:s18+s17], $0x80, $0x38;
	[tilespmem:$0x4080] =	vst v63  }
0x75: {  	_ =	swait.ge [sflag:s12], $0x80  }
0x76: {  	[sflag:s12] =	ssyncset.done $0x0  }
0x77: {  	[sflag:s12] =	ssyncadd.s32 $0xFFFFFF80  }
0x78: {  	[tilespmem:s13], [sflag:$0x2] =	stream.linear.gather [hbm4b:s16+s17], $0x4000, $0x38;
	[tilespmem:$0x4080] =	vst v63  }
0x79: {  	_ =	swait.ge [sflag:s12], $0x4000  }
0x7a: {  	p1 =	por $0x1, $0x1;
	[sflag:s12] =	ssyncset.done $0x0  }
.Ltmp7:
0x7b: {  	[sflag:s12] =	ssyncadd.s32 $0xFFFFC000;
	(pc) =	sbr.rel @!p1 .LBB2_17-.Ltmp7, $4  }
0x7c: {  	[hbm4b:s3+s13] =	stream.indirect.scatter [tilespmem:s13], [sflag:$0x1], $0x80, s17, s13, $0xb8;
	[tilespmem:$0x4080] =	vst v63  }
0x7d: {  	_ =	swait.ge [sflag:s4], $0x4000  }
0x7e: {  	s15 =	simm.s32 $0x10;
	[sflag:s4] =	ssyncset.done $0x0  }
0x7f: {  	p0 =	por $0x0, $0x0;
	s16 =	smov.u32 s8;
	[sflag:s4] =	ssyncadd.s32 $0xFFFFC000  }
0x80: {  	s16 =	sadd.s32 $0x0, s11  }
0x81: {  	[tilespmem:s2], [sflag:$0x2] =	stream.linear.gather [hbm4b:s16+s2], $0x80, $0x38;
	[tilespmem:$0x4080] =	vst v63  }
0x82: {  	_ =	swait.ge [sflag:s12], $0x80  }
0x83: {  	[sflag:s12] =	ssyncset.done $0x0  }
0x84: {  	[sflag:s12] =	ssyncadd.s32 $0xFFFFFF80  }
0x85: {  	[tilespmem:s13], [sflag:$0x2] =	stream.linear.gather [hbm4b:s8+s2], $0x4000, $0x38;
	[tilespmem:$0x4080] =	vst v63  }
0x86: {  	p1 =	por $0x1, $0x1;
	_ =	swait.ge [sflag:s12], $0x4000  }
.Ltmp8:
0x87: {  	[sflag:s12] =	ssyncset.done $0x0;
	(pc) =	sbr.rel @!p1 .LBB2_14-.Ltmp8, $4  }
0x88: {  	[sflag:s12] =	ssyncadd.s32 $0xFFFFC000  }
0x89: {  	[hbm4b:s3+s13] =	stream.indirect.scatter [tilespmem:s13], [sflag:$0x1], $0x80, s2, s13, $0xb8;
	[tilespmem:$0x4080] =	vst v63  }
0x8a: {  	s17 =	simm.s32 $0x20;
	_ =	swait.ge [sflag:s4], $0x4000  }
0x8b: {  	p0 =	por $0x1, $0x1;
	s16 =	sadd.s32 $0x800, s8;
	[sflag:s4] =	ssyncset.done $0x0  }
.LBB2_15:
0x8c: {  	s18 =	sadd.s32 s15, s11  }
0x8d: {  	[sflag:s4] =	ssyncadd.s32 $0xFFFFC000;
	s15 =	smov.u32 s17;
	s19 =	sadd.s32 $0x10, s17  }
0x8e: {  	[tilespmem:s2], [sflag:$0x2] =	stream.linear.gather [hbm4b:s18+s2], $0x80, $0x38;
	[tilespmem:$0x4080] =	vst v63  }
0x8f: {  	p1 =	sne.s32 s17, $0xF0;
	_ =	swait.ge [sflag:s12], $0x80  }
0x90: {  	[sflag:s12] =	ssyncset.done $0x0  }
0x91: {  	[sflag:s12] =	ssyncadd.s32 $0xFFFFFF80  }
0x92: {  	[tilespmem:s13], [sflag:$0x2] =	stream.linear.gather [hbm4b:s16+s2], $0x4000, $0x38;
	[tilespmem:$0x4080] =	vst v63  }
0x93: {  	_ =	swait.ge [sflag:s12], $0x4000  }
.Ltmp9:
0x94: {  	[sflag:s12] =	ssyncset.done $0x0;
	(pc) =	sbr.rel @p1 .LBB2_15-.Ltmp9, $4  }
0x95: {  	[sflag:s12] =	ssyncadd.s32 $0xFFFFC000  }
0x96: {  	[hbm4b:s3+s13] =	stream.indirect.scatter [tilespmem:s13], [sflag:$0x1], $0x80, s2, s13, $0xb8;
	[tilespmem:$0x4080] =	vst v63  }
0x97: {  	_ =	swait.ge [sflag:s4], $0x4000  }
0x98: {  	s17 =	smov.u32 s19;
	s16 =	sadd.s32 $0x800, s16;
	[sflag:s4] =	ssyncset.done $0x0  }
0x99: {  	s17 =	smov.u32 s15  }
.LBB2_17:
0x9a: {  	s15 =	sadd.s32 s17, s11;
	[sflag:s4] =	ssyncadd.s32 @p0 $0xFFFFC000  }
0x9b: {  	[tilespmem:s2], [sflag:$0x2] =	stream.linear.gather [hbm4b:s15+s2], $0x80, $0x38;
	[tilespmem:$0x4080] =	vst v63  }
0x9c: {  	_ =	swait.ge [sflag:s12], $0x80  }
0x9d: {  	[sflag:s12] =	ssyncset.done $0x0  }
0x9e: {  	[sflag:s12] =	ssyncadd.s32 $0xFFFFFF80  }
0x9f: {  	[tilespmem:s13], [sflag:$0x2] =	stream.linear.gather [hbm4b:s16+s2], $0x4000, $0x38;
	[tilespmem:$0x4080] =	vst v63  }
0xa0: {  	_ =	swait.ge [sflag:s12], $0x4000  }
0xa1: {  	s14 =	sadd.s32 $0x1, s14;
	[sflag:s12] =	ssyncset.done $0x0  }
0xa2: {  	p0 =	sne.s32 s14, s5;
	[sflag:s12] =	ssyncadd.s32 $0xFFFFC000  }
0xa3: {  	[hbm4b:s3+s13] =	stream.indirect.scatter [tilespmem:s13], [sflag:$0x1], $0x80, s2, s13, $0xb8;
	[tilespmem:$0x4080] =	vst v63  }
.Ltmp10:
0xa4: {  	_ = 	snop;
	(pc) =	sbr.rel @p0 .LBB2_1-.Ltmp10, $4  }
.Ltmp11:
0xa5: {  	_ = 	snop;
	(pc) =	sbr.rel @!p0 .LBB2_18-.Ltmp11, $4  }
0xa6: {  	_ =	swait.ge [sflag:s4], $0x4000  }
0xa7: {  	[sflag:s4] =	ssyncset.done $0x0  }
0xa8: {  	[sflag:s4] =	ssyncadd.s32 $0xFFFFC000  }
0xa9: {  	_ = 	snop  }
.LBB2_9:
.Ltmp12:
0xaa: {  	(pc) =	sbr.rel .LBB2_12-.Ltmp12, $2  }
0xab: {  	_ =	sdelay $0x2  }
0xac: {  	s16 =	smov.u32 s8  }
.LBB2_5:
.Ltmp13:
0xad: {  	(pc) =	sbr.rel .LBB2_8-.Ltmp13, $2  }
0xae: {  	_ =	sdelay $0x2  }
0xaf: {  	s18 =	simm.s32 $0x10  }
.LBB2_14:
.Ltmp14:
0xb0: {  	(pc) =	sbr.rel .LBB2_17-.Ltmp14, $2  }
0xb1: {  	_ =	sdelay $0x2  }
0xb2: {  	s17 =	simm.s32 $0x10  }
.LBB2_18:
0xb3: {  	_ =	sfence.sel $0x180000  }
0xb4: {  	[bflag:$0x0] =	sbarrier.arrive $0xFFFF  }
0xb5: {  	p0 =	sne.s32 s1, $0x0;
	_ =	strace $0x90000047  }
0xb6: {  	s0 =	sadd.s32 @!p0 $0x100000, s0;
	[bflag:$0x2] =	sbarrier.arrive $0xFFFF  }
0xb7: {  	[sflag:s0] =	ssyncadd.tile.s32 @!p0 $0x1;
	_ =	shalt  }
.Lfunc_end2:
_tile_overlayer_lowered:
.L_overlay_start_2:
0xb8: {  	(tag) =	ssettag $0x2  }
0xb9: {  	s0 =	rddreg [dreg:$0x0];
	s2 =	stileid.u32  }
0xba: {  	s1 =	rddreg [dreg:$0x1];
	p0 =	sne.s32 s2, $0x0  }
0xbb: {  	s3 =	rddreg [dreg:$0x2];
	[bflag:$0x3] =	sbarrier.arrive $0xFFFF;
	s2 =	simm.s32 @!p0 $0x1C02  }
0xbc: {  	[timem:s3], [sflag:s2] =	dma.local @!p0 [hbm:s0], s1  }
0xbd: {  	s0 =	simm.s32 @!p0 $0x2  }
0xbe: {  	_ =	swait.ge @!p0 [sflag:s0], s1  }
0xbf: {  	s1 =	ssub.s32 @!p0 $0x0, s1;
	[sflag:s0] =	ssyncset.done @!p0 $0x0  }
0xc0: {  	[sflag:s0] =	ssyncadd.s32 @!p0 s1  }
0xc1: {  	[bflag:$0x3] =	sbarrier.arrive $0xFFFF  }
0xc2: {  	_ =	shalt  }

</sc_bundles>
